<compile_context>
chip_gen: v7x
topology: tpu7x:2x2x1
jax: 0.10.2.dev20260603
libtpu: 0.0.44.dev20260713+nightly
codegen_flags: <defaults>
</compile_context>

<pallas_src>
import functools

import jax
import jax.numpy as jnp
from jax import lax
from jax.experimental import pallas as pl
from jax.experimental.pallas import tpu as pltpu
from jax.experimental.pallas import tpu_sc as plsc

N = 10000
E = 320000
NDIM = 128
EDIM = 16
H = 8
DK = 16

NC = 2
NS = 16
NW = NC * NS
EPW = E // NW
C = 40
NCHUNK = EPW // C
RCH = 16
NRCH = N // RCH
NBCH = (NRCH + NS - 1) // NS
NG = N // 8
NGCH = (NG + RCH - 1) // RCH
NGP = NGCH * RCH
NBG = (NGCH + NS - 1) // NS



def _qkv_body(x_ref, w_ref, b_ref, q_ref, k_ref, v_ref):
    acc = jnp.dot(x_ref[...], w_ref[...], preferred_element_type=jnp.float32)
    acc = acc + b_ref[...]
    q_ref[...] = acc[:, 0:NDIM]
    k_ref[...] = acc[:, NDIM:2 * NDIM]
    v_ref[...] = acc[:, 2 * NDIM:3 * NDIM]


def _qkv_call(x, wqkv, bqkv):
    br = 1000
    grid = (N // br,)
    return pl.pallas_call(
        _qkv_body,
        grid=grid,
        in_specs=[
            pl.BlockSpec((br, NDIM), lambda i: (i, 0)),
            pl.BlockSpec((NDIM, 3 * NDIM), lambda i: (0, 0)),
            pl.BlockSpec((1, 3 * NDIM), lambda i: (0, 0)),
        ],
        out_specs=[
            pl.BlockSpec((br, NDIM), lambda i: (i, 0)),
            pl.BlockSpec((br, NDIM), lambda i: (i, 0)),
            pl.BlockSpec((br, NDIM), lambda i: (i, 0)),
        ],
        out_shape=[
            jax.ShapeDtypeStruct((N, NDIM), jnp.float32),
            jax.ShapeDtypeStruct((N, NDIM), jnp.float32),
            jax.ShapeDtypeStruct((N, NDIM), jnp.float32),
        ],
    )(x, wqkv, bqkv)



def _dyng(v, idx):
    return lax.gather(
        v, idx[:, None],
        dimension_numbers=lax.GatherDimensionNumbers(
            offset_dims=(), collapsed_slice_dims=(0,), start_index_map=(0,)),
        slice_sizes=(1,), mode=lax.GatherScatterMode.PROMISE_IN_BOUNDS)


_SC_MESH = plsc.VectorSubcoreMesh(core_axis_name="c", subcore_axis_name="s")


@functools.partial(
    pl.kernel,
    mesh=_SC_MESH,
    out_type=(
        jax.ShapeDtypeStruct((NC, N, NDIM), jnp.float32),
        jax.ShapeDtypeStruct((NC, NGP, NDIM), jnp.float32),
    ),
    scratch_types=[
        pltpu.VMEM((C,), jnp.int32),
        pltpu.VMEM((C + 16,), jnp.int32),
        pltpu.VMEM((C,), jnp.int32),
        pltpu.VMEM((C, NDIM), jnp.float32),
        pltpu.VMEM((C, NDIM), jnp.float32),
        pltpu.VMEM((C, NDIM), jnp.float32),
        pltpu.VMEM((C, EDIM), jnp.float32),
        pltpu.VMEM((C, NDIM), jnp.float32),
        pltpu.VMEM((C, NDIM), jnp.float32),
        pltpu.VMEM((C,), jnp.int32),
        pltpu.VMEM((16,), jnp.int32),
        pltpu.VMEM_SHARED((N, NDIM), jnp.float32),
        pltpu.VMEM_SHARED((NGP, NDIM), jnp.float32),
        pltpu.SemaphoreType.DMA,
        pltpu.SemaphoreType.DMA,
        pltpu.SemaphoreType.DMA,
        pltpu.SemaphoreType.DMA,
    ],
)
def _edge_kernel(q_hbm, k_hbm, v_hbm, lgx_hbm, src_hbm, dst_hbm, dstg_hbm,
                 wv_out, z_out,
                 src_v, dst_v, dsti_v, k_v, q_v, v_v, e_v, msg_v, zp_v, dstg_v, idx_v,
                 wv_sh, z_sh, sem0, sem1, sem2, sem3):
    cid = lax.axis_index("c")
    sid = lax.axis_index("s")
    wid = sid * NC + cid

    zv = jnp.zeros((16,), jnp.float32)

    def _zrow(r, carry):
        for j in range(NDIM // 16):
            msg_v[r, pl.ds(j * 16, 16)] = zv
            zp_v[r, pl.ds(j * 16, 16)] = zv
        return carry
    lax.fori_loop(0, C, _zrow, 0)

    lane = lax.iota(jnp.int32, 16)

    def _zchunk(i, carry):
        off = jnp.minimum(sid + i * NS, NRCH - 1) * RCH
        idx_v[pl.ds(0, 16)] = off + lane
        pltpu.async_copy(msg_v.at[pl.ds(0, RCH)],
                         wv_sh.at[idx_v], sem0).wait()
        return carry
    lax.fori_loop(0, NBCH, _zchunk, 0)

    def _zgchunk(i, carry):
        off = jnp.minimum(sid + i * NS, NGCH - 1) * RCH
        idx_v[pl.ds(0, 16)] = off + lane
        pltpu.async_copy(zp_v.at[pl.ds(0, RCH)],
                         z_sh.at[idx_v], sem1).wait()
        return carry
    lax.fori_loop(0, NBG, _zgchunk, 0)
    plsc.subcore_barrier()

    def _chunk(ci, carry):
        gbase = wid * EPW + ci * C
        cp0 = pltpu.async_copy(src_hbm.at[pl.ds(gbase, C)], src_v, sem0)
        cp1 = pltpu.async_copy(dst_hbm.at[pl.ds(gbase, C)],
                               dst_v.at[pl.ds(0, C)], sem1)
        cp2 = pltpu.async_copy(dst_hbm.at[pl.ds(gbase, C)], dsti_v, sem2)
        cp3 = pltpu.async_copy(dstg_hbm.at[pl.ds(gbase, C)], dstg_v, sem3)
        cp0.wait(); cp1.wait(); cp2.wait(); cp3.wait()
        cp0 = pltpu.async_copy(k_hbm.at[src_v], k_v, sem0)
        cp1 = pltpu.async_copy(v_hbm.at[src_v], v_v, sem1)
        cp2 = pltpu.async_copy(q_hbm.at[dsti_v], q_v, sem2)
        cp3 = pltpu.async_copy(lgx_hbm.at[pl.ds(gbase, C)], e_v, sem3)
        cp0.wait(); cp1.wait(); cp2.wait(); cp3.wait()

        def _edge(ei, ecarry):
            ef = e_v[ei, pl.ds(0, EDIM)]
            zvec = jnp.zeros((16,), jnp.float32)
            for h in range(H):
                kk = k_v[ei, pl.ds(h * DK, DK)]
                qq = q_v[ei, pl.ds(h * DK, DK)]
                p = (kk + ef) * qq
                for st in (8, 4, 2, 1):
                    p = p + _dyng(p, lane ^ st)
                zvec = jnp.where(lane == h, p, zvec)
            ez = jnp.exp(jnp.minimum(jnp.maximum(zvec * 0.25, -5.0), 5.0))
            for h in range(H):
                ph = _dyng(ez, jnp.full((16,), h, jnp.int32))
                vv = v_v[ei, pl.ds(h * DK, DK)]
                msg_v[ei, pl.ds(h * DK, DK)] = (vv + ef) * ph
            base = (ei // 16) * 16
            dvec = dst_v[pl.ds(base, 16)] & 7
            slot = _dyng(dvec, jnp.full((16,), ei - base, jnp.int32))
            slotf = slot.astype(jnp.float32)
            for j in range(8):
                d = slotf - float(j)
                ind = jnp.maximum(1.0 - d * d, 0.0)
                zp_v[ei, pl.ds(j * 16, 16)] = ez * ind
            return ecarry
        lax.fori_loop(0, C, _edge, 0)

        pltpu.async_copy(msg_v, wv_sh.at[dsti_v], sem0, add=True).wait()
        pltpu.async_copy(zp_v, z_sh.at[dstg_v], sem1, add=True).wait()
        return carry
    lax.fori_loop(0, NCHUNK, _chunk, 0)

    plsc.subcore_barrier()

    def _wchunk(i, carry):
        off = jnp.minimum(sid + i * NS, NRCH - 1) * RCH
        idx_v[pl.ds(0, 16)] = off + lane
        pltpu.async_copy(wv_sh.at[idx_v],
                         msg_v.at[pl.ds(0, RCH)], sem0).wait()
        pltpu.async_copy(msg_v.at[pl.ds(0, RCH)],
                         wv_out.at[cid, pl.ds(off, RCH)], sem1).wait()
        return carry
    lax.fori_loop(0, NBCH, _wchunk, 0)

    def _wgchunk(i, carry):
        off = jnp.minimum(sid + i * NS, NGCH - 1) * RCH
        idx_v[pl.ds(0, 16)] = off + lane
        pltpu.async_copy(z_sh.at[idx_v],
                         zp_v.at[pl.ds(0, RCH)], sem2).wait()
        pltpu.async_copy(zp_v.at[pl.ds(0, RCH)],
                         z_out.at[cid, pl.ds(off, RCH)], sem3).wait()
        return carry
    lax.fori_loop(0, NBG, _wgchunk, 0)



def _post_body(x_ref, wv_ref, z_ref, wo_ref, bo_ref, g1_ref, b1_ref,
               w1_ref, bb1_ref, w2_ref, bb2_ref, g2_ref, b2_ref, out_ref):
    wv = wv_ref[0] + wv_ref[1]
    z = z_ref[0] + z_ref[1]
    rows = lax.broadcasted_iota(jnp.int32, (16, NDIM), 0)
    cols = lax.broadcasted_iota(jnp.int32, (16, NDIM), 1)
    sel = (rows == cols // DK).astype(jnp.float32)
    zfull = jnp.dot(z, sel, preferred_element_type=jnp.float32)
    o = wv / zfull

    t = x_ref[...] + jnp.dot(o, wo_ref[...],
                             preferred_element_type=jnp.float32) + bo_ref[...]
    mu = jnp.mean(t, axis=-1, keepdims=True)
    var = jnp.mean((t - mu) ** 2, axis=-1, keepdims=True)
    t1 = (t - mu) / jnp.sqrt(var + 1e-5) * g1_ref[...] + b1_ref[...]

    hdn = jnp.maximum(
        jnp.dot(t1, w1_ref[...], preferred_element_type=jnp.float32)
        + bb1_ref[...], 0.0)
    ff = jnp.dot(hdn, w2_ref[...],
                 preferred_element_type=jnp.float32) + bb2_ref[...]

    t2 = t1 + ff
    mu2 = jnp.mean(t2, axis=-1, keepdims=True)
    var2 = jnp.mean((t2 - mu2) ** 2, axis=-1, keepdims=True)
    out_ref[...] = (t2 - mu2) / jnp.sqrt(var2 + 1e-5) * g2_ref[...] + b2_ref[...]


def _post_call(x, wv_parts, z_parts, w_o, b_o, ln1_g, ln1_b, w1, bb1, w2,
               bb2, ln2_g, ln2_b):
    br = 1000
    grid = (N // br,)
    full = lambda shape: pl.BlockSpec(shape, lambda i: tuple(0 for _ in shape))
    return pl.pallas_call(
        _post_body,
        grid=grid,
        in_specs=[
            pl.BlockSpec((br, NDIM), lambda i: (i, 0)),
            pl.BlockSpec((NC, br, NDIM), lambda i: (0, i, 0)),
            pl.BlockSpec((NC, br, 16), lambda i: (0, i, 0)),
            full((NDIM, NDIM)),
            full((1, NDIM)),
            full((1, NDIM)),
            full((1, NDIM)),
            full((NDIM, 4 * NDIM)),
            full((1, 4 * NDIM)),
            full((4 * NDIM, NDIM)),
            full((1, NDIM)),
            full((1, NDIM)),
            full((1, NDIM)),
        ],
        out_specs=pl.BlockSpec((br, NDIM), lambda i: (i, 0)),
        out_shape=jax.ShapeDtypeStruct((N, NDIM), jnp.float32),
    )(x, wv_parts, z_parts, w_o, b_o, ln1_g, ln1_b, w1, bb1, w2, bb2,
      ln2_g, ln2_b)



def kernel(x, lgx, edge_index, W_q, b_q, W_k, W_v, W_o, b_o, ln1_g, ln1_b,
           W1, b1, W2, b2, ln2_g, ln2_b):
    wqkv = jnp.concatenate([W_q, W_k, W_v], axis=1)
    bqkv = jnp.concatenate(
        [b_q, jnp.zeros((2 * NDIM,), jnp.float32)])[None, :]
    q, k, v = _qkv_call(x, wqkv, bqkv)

    src = edge_index[0]
    dst = edge_index[1]
    dstg = dst // 8
    wv_parts, z_packed = _edge_kernel(q, k, v, lgx, src, dst, dstg)
    z_parts = z_packed[:, :NG, :].reshape(NC, N, 16)

    out = _post_call(x, wv_parts, z_parts, W_o, b_o[None, :],
                     ln1_g[None, :], ln1_b[None, :], W1, b1[None, :],
                     W2, b2[None, :], ln2_g[None, :], ln2_b[None, :])
    return (out, lgx)

# --- scband reference (transcript-rebuilt; emitter-appended) ---
"""Pipeline reference for scband-rgat-layer-7344394076549 (READ-ONLY COPY).

The authoritative reference and input builder live on the scoring server;
editing this copy changes nothing except your own understanding.
"""

import jax, jax.numpy as jnp
import numpy as np

N = 10000
E = 320000
NDIM = 128
EDIM = 16
H = 8
DIM = 128
DK = DIM // H  # 16 == EDIM, so edge-feat expansion matches d_k


def _layer_norm(h, g, b, eps=1e-5):
    mu = jnp.mean(h, axis=-1, keepdims=True)
    var = jnp.mean((h - mu) ** 2, axis=-1, keepdims=True)
    return (h - mu) / jnp.sqrt(var + eps) * g + b


def setup_inputs(seed: int = 0):
    key = jax.random.key(seed)
    ks = jax.random.split(key, 20)
    s = 0.02
    inp = {}
    inp["x"] = jax.random.normal(ks[0], (N, NDIM), dtype=jnp.float32)
    inp["lgx"] = jax.random.normal(ks[1], (E, EDIM), dtype=jnp.float32)
    inp["edge_index"] = jax.random.randint(ks[2], (2, E), 0, N, dtype=jnp.int32)
    inp["W_q"] = jax.random.normal(ks[3], (NDIM, DIM), dtype=jnp.float32) * s
    inp["b_q"] = jnp.zeros((DIM,), jnp.float32)
    inp["W_k"] = jax.random.normal(ks[4], (NDIM, DIM), dtype=jnp.float32) * s
    inp["W_v"] = jax.random.normal(ks[5], (NDIM, DIM), dtype=jnp.float32) * s
    inp["W_o"] = jax.random.normal(ks[6], (DIM, NDIM), dtype=jnp.float32) * s
    inp["b_o"] = jnp.zeros((NDIM,), jnp.float32)
    inp["ln1_g"] = jnp.ones((NDIM,), jnp.float32)
    inp["ln1_b"] = jnp.zeros((NDIM,), jnp.float32)
    inp["W1"] = jax.random.normal(ks[7], (NDIM, 4 * NDIM), dtype=jnp.float32) * s
    inp["b1"] = jnp.zeros((4 * NDIM,), jnp.float32)
    inp["W2"] = jax.random.normal(ks[8], (4 * NDIM, NDIM), dtype=jnp.float32) * s
    inp["b2"] = jnp.zeros((NDIM,), jnp.float32)
    inp["ln2_g"] = jnp.ones((NDIM,), jnp.float32)
    inp["ln2_b"] = jnp.zeros((NDIM,), jnp.float32)
    return inp


def reference(x, lgx, edge_index, W_q, b_q, W_k, W_v, W_o, b_o, ln1_g, ln1_b, W1, b1, W2, b2, ln2_g, ln2_b):
    # dropout is identity in eval mode
    q = (x @ W_q + b_q).reshape(N, H, DK)
    k = (x @ W_k).reshape(N, H, DK)
    v = (x @ W_v).reshape(N, H, DK)
    # edim != dim -> expand edge feats across heads (edim == d_k)
    e = jnp.broadcast_to(lgx[:, None, :], (E, H, EDIM))
    src = edge_index[0]
    dst = edge_index[1]
    k_src = jnp.take(k, src, axis=0)
    v_src = jnp.take(v, src, axis=0)
    q_dst = jnp.take(q, dst, axis=0)
    # score = sum((k_src + e) * q_dst); scaled exp with clamp
    score = jnp.sum((k_src + e) * q_dst, axis=-1, keepdims=True)
    score = jnp.exp(jnp.clip(score / np.sqrt(DK), -5.0, 5.0))
    msg = (v_src + e) * score
    wv = jax.ops.segment_sum(msg, dst, num_segments=N)
    z = jax.ops.segment_sum(score, dst, num_segments=N)
    o = wv / z
    out = _layer_norm(x + (o.reshape(N, H * DK) @ W_o + b_o), ln1_g, ln1_b)
    ff = jax.nn.relu(out @ W1 + b1) @ W2 + b2
    out = _layer_norm(out + ff, ln2_g, ln2_b)
    return (out, lgx)

if __name__ == "__main__":
    import jax
    _d = setup_inputs()
    print(jax.jit(kernel)(*tuple(_d.values())))

</pallas_src>

<mosaic_0001>
#map = affine_map<(d0, d1) -> (0, 0)>
#map1 = affine_map<(d0, d1) -> (0)>
#map2 = affine_map<(d0, d1) -> (0, 0, 0)>
module attributes {stable_mosaic.version = 14 : i64} {
  func.func @_edge_kernel(%arg0: i32, %arg1: i32, %arg2: memref<10000x128xf32, #tpu.memory_space<hbm>>, %arg3: memref<10000x128xf32, #tpu.memory_space<hbm>>, %arg4: memref<10000x128xf32, #tpu.memory_space<hbm>>, %arg5: memref<320000x16xf32, #tpu.memory_space<hbm>>, %arg6: memref<320000xi32, #tpu.memory_space<hbm>>, %arg7: memref<320000xi32, #tpu.memory_space<hbm>>, %arg8: memref<320000xi32, #tpu.memory_space<hbm>>, %arg9: memref<2x10000x128xf32, #tpu.memory_space<hbm>>, %arg10: memref<2x1264x128xf32, #tpu.memory_space<hbm>>, %arg11: memref<40xi32, #tpu.memory_space<vmem>>, %arg12: memref<56xi32, #tpu.memory_space<vmem>>, %arg13: memref<40xi32, #tpu.memory_space<vmem>>, %arg14: memref<40x128xf32, #tpu.memory_space<vmem>>, %arg15: memref<40x128xf32, #tpu.memory_space<vmem>>, %arg16: memref<40x128xf32, #tpu.memory_space<vmem>>, %arg17: memref<40x16xf32, #tpu.memory_space<vmem>>, %arg18: memref<40x128xf32, #tpu.memory_space<vmem>>, %arg19: memref<40x128xf32, #tpu.memory_space<vmem>>, %arg20: memref<40xi32, #tpu.memory_space<vmem>>, %arg21: memref<16xi32, #tpu.memory_space<vmem>>, %arg22: memref<10000x128xf32, #tpu.memory_space<vmem_shared>>, %arg23: memref<1264x128xf32, #tpu.memory_space<vmem_shared>>, %arg24: memref<!tpu.dma_semaphore, #tpu.memory_space<semaphore_mem>>, %arg25: memref<!tpu.dma_semaphore, #tpu.memory_space<semaphore_mem>>, %arg26: memref<!tpu.dma_semaphore, #tpu.memory_space<semaphore_mem>>, %arg27: memref<!tpu.dma_semaphore, #tpu.memory_space<semaphore_mem>>) attributes {dimension_semantics = [#tpu.dimension_semantics<core_parallel>, #tpu.dimension_semantics<subcore_parallel>], iteration_bounds = array<i64: 2, 16>, scalar_prefetch = 0 : i64, scratch_operands = 17 : i64, tpu.core_type = #tpu.core_type<sc_vector_subcore>, window_params = [{transform_indices = #map}, {transform_indices = #map}, {transform_indices = #map}, {transform_indices = #map}, {transform_indices = #map1}, {transform_indices = #map1}, {transform_indices = #map1}, {transform_indices = #map2}, {transform_indices = #map2}]} {
    %mul3A = arith.constant 2 : i32
    %mul3A_0 = arith.muli %arg1, %mul3A : i32
    %add3A = arith.addi %mul3A_0, %arg0 : i32
    %broadcast_in_dim3A = arith.constant 0.000000e+00 : f32
    %broadcast_in_dim3A_1 = vector.broadcast %broadcast_in_dim3A : f32 to vector<16xf32>
    %scan3A = arith.constant 0 : i32
    %scan3A_2 = arith.constant 0 : i32
    %scan3A_3 = arith.constant 40 : i32
    %scan3A_4 = arith.addi %scan3A_2, %scan3A_3 : i32
    %scan3A_5 = arith.constant 1 : i32
    scf.for %scan3A_38 = %scan3A_2 to %scan3A_4 step %scan3A_5  : i32 {
      %swap3A = arith.index_cast %scan3A_38 : i32 to index
      %swap3A_39 = arith.constant 0 : index
      %swap3A_40 = tpu.vector_load %arg18[%swap3A, %swap3A_39] {strides = array<i32>} : memref<40x128xf32, #tpu.memory_space<vmem>>, vector<1x16xf32>,
      %swap3A_41 = vector.shape_cast %swap3A_40 : vector<1x16xf32> to vector<16xf32>
      %swap3A_42 = vector.shape_cast %broadcast_in_dim3A_1 : vector<16xf32> to vector<1x16xf32>
      tpu.vector_store %arg18[%swap3A, %swap3A_39], %swap3A_42 {strides = array<i32>} : memref<40x128xf32, #tpu.memory_space<vmem>>, vector<1x16xf32>,
      %swap3A_43 = arith.index_cast %scan3A_38 : i32 to index
      %swap3A_44 = arith.constant 0 : index
      %swap3A_45 = tpu.vector_load %arg19[%swap3A_43, %swap3A_44] {strides = array<i32>} : memref<40x128xf32, #tpu.memory_space<vmem>>, vector<1x16xf32>,
      %swap3A_46 = vector.shape_cast %swap3A_45 : vector<1x16xf32> to vector<16xf32>
      %swap3A_47 = vector.shape_cast %broadcast_in_dim3A_1 : vector<16xf32> to vector<1x16xf32>
      tpu.vector_store %arg19[%swap3A_43, %swap3A_44], %swap3A_47 {strides = array<i32>} : memref<40x128xf32, #tpu.memory_space<vmem>>, vector<1x16xf32>,
      %swap3A_48 = arith.index_cast %scan3A_38 : i32 to index
      %swap3A_49 = arith.constant 16 : index
      %swap3A_50 = tpu.vector_load %arg18[%swap3A_48, %swap3A_49] {strides = array<i32>} : memref<40x128xf32, #tpu.memory_space<vmem>>, vector<1x16xf32>,
      %swap3A_51 = vector.shape_cast %swap3A_50 : vector<1x16xf32> to vector<16xf32>
      %swap3A_52 = vector.shape_cast %broadcast_in_dim3A_1 : vector<16xf32> to vector<1x16xf32>
      tpu.vector_store %arg18[%swap3A_48, %swap3A_49], %swap3A_52 {strides = array<i32>} : memref<40x128xf32, #tpu.memory_space<vmem>>, vector<1x16xf32>,
      %swap3A_53 = arith.index_cast %scan3A_38 : i32 to index
      %swap3A_54 = arith.constant 16 : index
      %swap3A_55 = tpu.vector_load %arg19[%swap3A_53, %swap3A_54] {strides = array<i32>} : memref<40x128xf32, #tpu.memory_space<vmem>>, vector<1x16xf32>,
      %swap3A_56 = vector.shape_cast %swap3A_55 : vector<1x16xf32> to vector<16xf32>
      %swap3A_57 = vector.shape_cast %broadcast_in_dim3A_1 : vector<16xf32> to vector<1x16xf32>
      tpu.vector_store %arg19[%swap3A_53, %swap3A_54], %swap3A_57 {strides = array<i32>} : memref<40x128xf32, #tpu.memory_space<vmem>>, vector<1x16xf32>,
      %swap3A_58 = arith.index_cast %scan3A_38 : i32 to index
      %swap3A_59 = arith.constant 32 : index
      %swap3A_60 = tpu.vector_load %arg18[%swap3A_58, %swap3A_59] {strides = array<i32>} : memref<40x128xf32, #tpu.memory_space<vmem>>, vector<1x16xf32>,
      %swap3A_61 = vector.shape_cast %swap3A_60 : vector<1x16xf32> to vector<16xf32>
      %swap3A_62 = vector.shape_cast %broadcast_in_dim3A_1 : vector<16xf32> to vector<1x16xf32>
      tpu.vector_store %arg18[%swap3A_58, %swap3A_59], %swap3A_62 {strides = array<i32>} : memref<40x128xf32, #tpu.memory_space<vmem>>, vector<1x16xf32>,
      %swap3A_63 = arith.index_cast %scan3A_38 : i32 to index
      %swap3A_64 = arith.constant 32 : index
      %swap3A_65 = tpu.vector_load %arg19[%swap3A_63, %swap3A_64] {strides = array<i32>} : memref<40x128xf32, #tpu.memory_space<vmem>>, vector<1x16xf32>,
      %swap3A_66 = vector.shape_cast %swap3A_65 : vector<1x16xf32> to vector<16xf32>
      %swap3A_67 = vector.shape_cast %broadcast_in_dim3A_1 : vector<16xf32> to vector<1x16xf32>
      tpu.vector_store %arg19[%swap3A_63, %swap3A_64], %swap3A_67 {strides = array<i32>} : memref<40x128xf32, #tpu.memory_space<vmem>>, vector<1x16xf32>,
      %swap3A_68 = arith.index_cast %scan3A_38 : i32 to index
      %swap3A_69 = arith.constant 48 : index
      %swap3A_70 = tpu.vector_load %arg18[%swap3A_68, %swap3A_69] {strides = array<i32>} : memref<40x128xf32, #tpu.memory_space<vmem>>, vector<1x16xf32>,
      %swap3A_71 = vector.shape_cast %swap3A_70 : vector<1x16xf32> to vector<16xf32>
      %swap3A_72 = vector.shape_cast %broadcast_in_dim3A_1 : vector<16xf32> to vector<1x16xf32>
      tpu.vector_store %arg18[%swap3A_68, %swap3A_69], %swap3A_72 {strides = array<i32>} : memref<40x128xf32, #tpu.memory_space<vmem>>, vector<1x16xf32>,
      %swap3A_73 = arith.index_cast %scan3A_38 : i32 to index
      %swap3A_74 = arith.constant 48 : index
      %swap3A_75 = tpu.vector_load %arg19[%swap3A_73, %swap3A_74] {strides = array<i32>} : memref<40x128xf32, #tpu.memory_space<vmem>>, vector<1x16xf32>,
      %swap3A_76 = vector.shape_cast %swap3A_75 : vector<1x16xf32> to vector<16xf32>
      %swap3A_77 = vector.shape_cast %broadcast_in_dim3A_1 : vector<16xf32> to vector<1x16xf32>
      tpu.vector_store %arg19[%swap3A_73, %swap3A_74], %swap3A_77 {strides = array<i32>} : memref<40x128xf32, #tpu.memory_space<vmem>>, vector<1x16xf32>,
      %swap3A_78 = arith.index_cast %scan3A_38 : i32 to index
      %swap3A_79 = arith.constant 64 : index
      %swap3A_80 = tpu.vector_load %arg18[%swap3A_78, %swap3A_79] {strides = array<i32>} : memref<40x128xf32, #tpu.memory_space<vmem>>, vector<1x16xf32>,
      %swap3A_81 = vector.shape_cast %swap3A_80 : vector<1x16xf32> to vector<16xf32>
      %swap3A_82 = vector.shape_cast %broadcast_in_dim3A_1 : vector<16xf32> to vector<1x16xf32>
      tpu.vector_store %arg18[%swap3A_78, %swap3A_79], %swap3A_82 {strides = array<i32>} : memref<40x128xf32, #tpu.memory_space<vmem>>, vector<1x16xf32>,
      %swap3A_83 = arith.index_cast %scan3A_38 : i32 to index
      %swap3A_84 = arith.constant 64 : index
      %swap3A_85 = tpu.vector_load %arg19[%swap3A_83, %swap3A_84] {strides = array<i32>} : memref<40x128xf32, #tpu.memory_space<vmem>>, vector<1x16xf32>,
      %swap3A_86 = vector.shape_cast %swap3A_85 : vector<1x16xf32> to vector<16xf32>
      %swap3A_87 = vector.shape_cast %broadcast_in_dim3A_1 : vector<16xf32> to vector<1x16xf32>
      tpu.vector_store %arg19[%swap3A_83, %swap3A_84], %swap3A_87 {strides = array<i32>} : memref<40x128xf32, #tpu.memory_space<vmem>>, vector<1x16xf32>,
      %swap3A_88 = arith.index_cast %scan3A_38 : i32 to index
      %swap3A_89 = arith.constant 80 : index
      %swap3A_90 = tpu.vector_load %arg18[%swap3A_88, %swap3A_89] {strides = array<i32>} : memref<40x128xf32, #tpu.memory_space<vmem>>, vector<1x16xf32>,
      %swap3A_91 = vector.shape_cast %swap3A_90 : vector<1x16xf32> to vector<16xf32>
      %swap3A_92 = vector.shape_cast %broadcast_in_dim3A_1 : vector<16xf32> to vector<1x16xf32>
      tpu.vector_store %arg18[%swap3A_88, %swap3A_89], %swap3A_92 {strides = array<i32>} : memref<40x128xf32, #tpu.memory_space<vmem>>, vector<1x16xf32>,
      %swap3A_93 = arith.index_cast %scan3A_38 : i32 to index
      %swap3A_94 = arith.constant 80 : index
      %swap3A_95 = tpu.vector_load %arg19[%swap3A_93, %swap3A_94] {strides = array<i32>} : memref<40x128xf32, #tpu.memory_space<vmem>>, vector<1x16xf32>,
      %swap3A_96 = vector.shape_cast %swap3A_95 : vector<1x16xf32> to vector<16xf32>
      %swap3A_97 = vector.shape_cast %broadcast_in_dim3A_1 : vector<16xf32> to vector<1x16xf32>
      tpu.vector_store %arg19[%swap3A_93, %swap3A_94], %swap3A_97 {strides = array<i32>} : memref<40x128xf32, #tpu.memory_space<vmem>>, vector<1x16xf32>,
      %swap3A_98 = arith.index_cast %scan3A_38 : i32 to index
      %swap3A_99 = arith.constant 96 : index
      %swap3A_100 = tpu.vector_load %arg18[%swap3A_98, %swap3A_99] {strides = array<i32>} : memref<40x128xf32, #tpu.memory_space<vmem>>, vector<1x16xf32>,
      %swap3A_101 = vector.shape_cast %swap3A_100 : vector<1x16xf32> to vector<16xf32>
      %swap3A_102 = vector.shape_cast %broadcast_in_dim3A_1 : vector<16xf32> to vector<1x16xf32>
      tpu.vector_store %arg18[%swap3A_98, %swap3A_99], %swap3A_102 {strides = array<i32>} : memref<40x128xf32, #tpu.memory_space<vmem>>, vector<1x16xf32>,
      %swap3A_103 = arith.index_cast %scan3A_38 : i32 to index
      %swap3A_104 = arith.constant 96 : index
      %swap3A_105 = tpu.vector_load %arg19[%swap3A_103, %swap3A_104] {strides = array<i32>} : memref<40x128xf32, #tpu.memory_space<vmem>>, vector<1x16xf32>,
      %swap3A_106 = vector.shape_cast %swap3A_105 : vector<1x16xf32> to vector<16xf32>
      %swap3A_107 = vector.shape_cast %broadcast_in_dim3A_1 : vector<16xf32> to vector<1x16xf32>
      tpu.vector_store %arg19[%swap3A_103, %swap3A_104], %swap3A_107 {strides = array<i32>} : memref<40x128xf32, #tpu.memory_space<vmem>>, vector<1x16xf32>,
      %swap3A_108 = arith.index_cast %scan3A_38 : i32 to index
      %swap3A_109 = arith.constant 112 : index
      %swap3A_110 = tpu.vector_load %arg18[%swap3A_108, %swap3A_109] {strides = array<i32>} : memref<40x128xf32, #tpu.memory_space<vmem>>, vector<1x16xf32>,
      %swap3A_111 = vector.shape_cast %swap3A_110 : vector<1x16xf32> to vector<16xf32>
      %swap3A_112 = vector.shape_cast %broadcast_in_dim3A_1 : vector<16xf32> to vector<1x16xf32>
      tpu.vector_store %arg18[%swap3A_108, %swap3A_109], %swap3A_112 {strides = array<i32>} : memref<40x128xf32, #tpu.memory_space<vmem>>, vector<1x16xf32>,
      %swap3A_113 = arith.index_cast %scan3A_38 : i32 to index
      %swap3A_114 = arith.constant 112 : index
      %swap3A_115 = tpu.vector_load %arg19[%swap3A_113, %swap3A_114] {strides = array<i32>} : memref<40x128xf32, #tpu.memory_space<vmem>>, vector<1x16xf32>,
      %swap3A_116 = vector.shape_cast %swap3A_115 : vector<1x16xf32> to vector<16xf32>
      %swap3A_117 = vector.shape_cast %broadcast_in_dim3A_1 : vector<16xf32> to vector<1x16xf32>
      tpu.vector_store %arg19[%swap3A_113, %swap3A_114], %swap3A_117 {strides = array<i32>} : memref<40x128xf32, #tpu.memory_space<vmem>>, vector<1x16xf32>,
    }
    %scan3A_6 = arith.constant 40 : i32
    %iota3A = tpu.iota {dimensions = array<i32: 0>} : vector<16xi32>
    %scan3A_7 = arith.constant 0 : i32
    %scan3A_8 = arith.constant 0 : i32
    %scan3A_9 = arith.constant 40 : i32
    %scan3A_10 = arith.addi %scan3A_8, %scan3A_9 : i32
    %scan3A_11 = arith.constant 1 : i32
    scf.for %scan3A_38 = %scan3A_8 to %scan3A_10 step %scan3A_11  : i32 {
      %mul3A_39 = arith.constant 16 : i32
      %mul3A_40 = arith.muli %scan3A_38, %mul3A_39 : i32
      %add3A_41 = arith.addi %arg1, %mul3A_40 : i32
      %min3A = arith.constant 624 : i32
      %min3A_42 = arith.minsi %add3A_41, %min3A : i32
      %mul3A_43 = arith.constant 16 : i32
      %mul3A_44 = arith.muli %min3A_42, %mul3A_43 : i32
      %add3A_45 = vector.broadcast %mul3A_44 : i32 to vector<16xi32>
      %add3A_46 = arith.addi %add3A_45, %iota3A : vector<16xi32>
      %swap3A = arith.constant 0 : index
      %swap3A_47 = tpu.vector_load %arg21[%swap3A] {strides = array<i32>} : memref<16xi32, #tpu.memory_space<vmem>>, vector<16xi32>,
      %swap3A_48 = vector.shape_cast %swap3A_47 : vector<16xi32> to vector<16xi32>
      %swap3A_49 = vector.shape_cast %add3A_46 : vector<16xi32> to vector<16xi32>
      tpu.vector_store %arg21[%swap3A], %swap3A_49 {strides = array<i32>} : memref<16xi32, #tpu.memory_space<vmem>>, vector<16xi32>,
      %dma_start3A = arith.constant 0 : i32
      %dma_start3A_50 = arith.constant 0 : i32
      %dma_start3A_51 = tpu.memref_slice %arg18[%dma_start3A, %dma_start3A_50] : memref<40x128xf32, #tpu.memory_space<vmem>> -> memref<16x128xf32, #tpu.memory_space<vmem>>
      %dma_start3A_52 = arith.constant 0 : i32
      %dma_start3A_53 = arith.constant 0 : i32
      %dma_start3A_54 = tpu.memref_slice %arg22[%dma_start3A_52, %dma_start3A_53] : memref<10000x128xf32, #tpu.memory_space<vmem_shared>> -> memref<10000x128xf32, #tpu.memory_space<vmem_shared>>
      tpu.enqueue_indirect_dma source(%dma_start3A_51 : memref<16x128xf32, #tpu.memory_space<vmem>>) target(%dma_start3A_54 : memref<10000x128xf32, #tpu.memory_space<vmem_shared>>) offsets(%arg21 : memref<16xi32, #tpu.memory_space<vmem>>) semaphore(%arg24 : memref<!tpu.dma_semaphore, #tpu.memory_space<semaphore_mem>>)
      %dma_wait3A = arith.constant 0 : i32
      %dma_wait3A_55 = arith.constant 0 : i32
      %dma_wait3A_56 = tpu.memref_slice %arg18[%dma_wait3A, %dma_wait3A_55] : memref<40x128xf32, #tpu.memory_space<vmem>> -> memref<16x128xf32, #tpu.memory_space<vmem>>
      %dma_wait3A_57 = arith.constant 0 : i32
      %dma_wait3A_58 = arith.constant 0 : i32
      %dma_wait3A_59 = tpu.memref_slice %arg22[%dma_wait3A_57, %dma_wait3A_58] : memref<10000x128xf32, #tpu.memory_space<vmem_shared>> -> memref<10000x128xf32, #tpu.memory_space<vmem_shared>>
      tpu.wait_indirect_dma semaphore(%arg24 : memref<!tpu.dma_semaphore, #tpu.memory_space<semaphore_mem>>) src(%dma_wait3A_56 : memref<16x128xf32, #tpu.memory_space<vmem>>) dst(%dma_wait3A_59 : memref<10000x128xf32, #tpu.memory_space<vmem_shared>>)
    }
    %scan3A_12 = arith.constant 40 : i32
    %scan3A_13 = arith.constant 0 : i32
    %scan3A_14 = arith.constant 0 : i32
    %scan3A_15 = arith.constant 5 : i32
    %scan3A_16 = arith.addi %scan3A_14, %scan3A_15 : i32
    %scan3A_17 = arith.constant 1 : i32
    scf.for %scan3A_38 = %scan3A_14 to %scan3A_16 step %scan3A_17  : i32 {
      %mul3A_39 = arith.constant 16 : i32
      %mul3A_40 = arith.muli %scan3A_38, %mul3A_39 : i32
      %add3A_41 = arith.addi %arg1, %mul3A_40 : i32
      %min3A = arith.constant 78 : i32
      %min3A_42 = arith.minsi %add3A_41, %min3A : i32
      %mul3A_43 = arith.constant 16 : i32
      %mul3A_44 = arith.muli %min3A_42, %mul3A_43 : i32
      %add3A_45 = vector.broadcast %mul3A_44 : i32 to vector<16xi32>
      %add3A_46 = arith.addi %add3A_45, %iota3A : vector<16xi32>
      %swap3A = arith.constant 0 : index
      %swap3A_47 = tpu.vector_load %arg21[%swap3A] {strides = array<i32>} : memref<16xi32, #tpu.memory_space<vmem>>, vector<16xi32>,
      %swap3A_48 = vector.shape_cast %swap3A_47 : vector<16xi32> to vector<16xi32>
      %swap3A_49 = vector.shape_cast %add3A_46 : vector<16xi32> to vector<16xi32>
      tpu.vector_store %arg21[%swap3A], %swap3A_49 {strides = array<i32>} : memref<16xi32, #tpu.memory_space<vmem>>, vector<16xi32>,
      %dma_start3A = arith.constant 0 : i32
      %dma_start3A_50 = arith.constant 0 : i32
      %dma_start3A_51 = tpu.memref_slice %arg19[%dma_start3A, %dma_start3A_50] : memref<40x128xf32, #tpu.memory_space<vmem>> -> memref<16x128xf32, #tpu.memory_space<vmem>>
      %dma_start3A_52 = arith.constant 0 : i32
      %dma_start3A_53 = arith.constant 0 : i32
      %dma_start3A_54 = tpu.memref_slice %arg23[%dma_start3A_52, %dma_start3A_53] : memref<1264x128xf32, #tpu.memory_space<vmem_shared>> -> memref<1264x128xf32, #tpu.memory_space<vmem_shared>>
      tpu.enqueue_indirect_dma source(%dma_start3A_51 : memref<16x128xf32, #tpu.memory_space<vmem>>) target(%dma_start3A_54 : memref<1264x128xf32, #tpu.memory_space<vmem_shared>>) offsets(%arg21 : memref<16xi32, #tpu.memory_space<vmem>>) semaphore(%arg25 : memref<!tpu.dma_semaphore, #tpu.memory_space<semaphore_mem>>)
      %dma_wait3A = arith.constant 0 : i32
      %dma_wait3A_55 = arith.constant 0 : i32
      %dma_wait3A_56 = tpu.memref_slice %arg19[%dma_wait3A, %dma_wait3A_55] : memref<40x128xf32, #tpu.memory_space<vmem>> -> memref<16x128xf32, #tpu.memory_space<vmem>>
      %dma_wait3A_57 = arith.constant 0 : i32
      %dma_wait3A_58 = arith.constant 0 : i32
      %dma_wait3A_59 = tpu.memref_slice %arg23[%dma_wait3A_57, %dma_wait3A_58] : memref<1264x128xf32, #tpu.memory_space<vmem_shared>> -> memref<1264x128xf32, #tpu.memory_space<vmem_shared>>
      tpu.wait_indirect_dma semaphore(%arg25 : memref<!tpu.dma_semaphore, #tpu.memory_space<semaphore_mem>>) src(%dma_wait3A_56 : memref<16x128xf32, #tpu.memory_space<vmem>>) dst(%dma_wait3A_59 : memref<1264x128xf32, #tpu.memory_space<vmem_shared>>)
    }
    %scan3A_18 = arith.constant 5 : i32
    %barrier3A = arith.constant 0 : index
    tpu.barrier barrier_id(%barrier3A)
    %scan3A_19 = arith.constant 0 : i32
    %scan3A_20 = arith.constant 0 : i32
    %scan3A_21 = arith.constant 250 : i32
    %scan3A_22 = arith.addi %scan3A_20, %scan3A_21 : i32
    %scan3A_23 = arith.constant 1 : i32
    scf.for %scan3A_38 = %scan3A_20 to %scan3A_22 step %scan3A_23  : i32 {
      %mul3A_39 = arith.constant 10000 : i32
      %mul3A_40 = arith.muli %add3A, %mul3A_39 : i32
      %mul3A_41 = arith.constant 40 : i32
      %mul3A_42 = arith.muli %scan3A_38, %mul3A_41 : i32
      %add3A_43 = arith.addi %mul3A_40, %mul3A_42 : i32
      %dma_start3A = tpu.memref_slice %arg6[%add3A_43] : memref<320000xi32, #tpu.memory_space<hbm>> -> memref<40xi32, #tpu.memory_space<hbm>>
      %dma_start3A_44 = tpu.memref_slice %arg6[%add3A_43] : memref<320000xi32, #tpu.memory_space<hbm>> -> memref<40xi32, #tpu.memory_space<hbm>>
      tpu.enqueue_dma source(%dma_start3A_44 : memref<40xi32, #tpu.memory_space<hbm>>) target(%arg11 : memref<40xi32, #tpu.memory_space<vmem>>) target_semaphore(%arg24 : memref<!tpu.dma_semaphore, #tpu.memory_space<semaphore_mem>>)
      %dma_start3A_45 = arith.constant 0 : i32
      %dma_start3A_46 = tpu.memref_slice %arg12[%dma_start3A_45] : memref<56xi32, #tpu.memory_space<vmem>> -> memref<40xi32, #tpu.memory_space<vmem>>
      %dma_start3A_47 = tpu.memref_slice %arg7[%add3A_43] : memref<320000xi32, #tpu.memory_space<hbm>> -> memref<40xi32, #tpu.memory_space<hbm>>
      %dma_start3A_48 = arith.constant 0 : i32
      %dma_start3A_49 = tpu.memref_slice %arg12[%dma_start3A_48] : memref<56xi32, #tpu.memory_space<vmem>> -> memref<40xi32, #tpu.memory_space<vmem>>
      %dma_start3A_50 = tpu.memref_slice %arg7[%add3A_43] : memref<320000xi32, #tpu.memory_space<hbm>> -> memref<40xi32, #tpu.memory_space<hbm>>
      tpu.enqueue_dma source(%dma_start3A_50 : memref<40xi32, #tpu.memory_space<hbm>>) target(%dma_start3A_49 : memref<40xi32, #tpu.memory_space<vmem>>) target_semaphore(%arg25 : memref<!tpu.dma_semaphore, #tpu.memory_space<semaphore_mem>>)
      %dma_start3A_51 = tpu.memref_slice %arg7[%add3A_43] : memref<320000xi32, #tpu.memory_space<hbm>> -> memref<40xi32, #tpu.memory_space<hbm>>
      %dma_start3A_52 = tpu.memref_slice %arg7[%add3A_43] : memref<320000xi32, #tpu.memory_space<hbm>> -> memref<40xi32, #tpu.memory_space<hbm>>
      tpu.enqueue_dma source(%dma_start3A_52 : memref<40xi32, #tpu.memory_space<hbm>>) target(%arg13 : memref<40xi32, #tpu.memory_space<vmem>>) target_semaphore(%arg26 : memref<!tpu.dma_semaphore, #tpu.memory_space<semaphore_mem>>)
      %dma_start3A_53 = tpu.memref_slice %arg8[%add3A_43] : memref<320000xi32, #tpu.memory_space<hbm>> -> memref<40xi32, #tpu.memory_space<hbm>>
      %dma_start3A_54 = tpu.memref_slice %arg8[%add3A_43] : memref<320000xi32, #tpu.memory_space<hbm>> -> memref<40xi32, #tpu.memory_space<hbm>>
      tpu.enqueue_dma source(%dma_start3A_54 : memref<40xi32, #tpu.memory_space<hbm>>) target(%arg20 : memref<40xi32, #tpu.memory_space<vmem>>) target_semaphore(%arg27 : memref<!tpu.dma_semaphore, #tpu.memory_space<semaphore_mem>>)
      %dma_wait3A = tpu.memref_slice %arg6[%add3A_43] : memref<320000xi32, #tpu.memory_space<hbm>> -> memref<40xi32, #tpu.memory_space<hbm>>
      %dma_wait3A_55 = tpu.memref_slice %arg6[%add3A_43] : memref<320000xi32, #tpu.memory_space<hbm>> -> memref<40xi32, #tpu.memory_space<hbm>>
      tpu.wait_dma2 semaphore(%arg24 : memref<!tpu.dma_semaphore, #tpu.memory_space<semaphore_mem>>) src(%dma_wait3A_55 : memref<40xi32, #tpu.memory_space<hbm>>) dst(%arg11 : memref<40xi32, #tpu.memory_space<vmem>>)
      %dma_wait3A_56 = arith.constant 0 : i32
      %dma_wait3A_57 = tpu.memref_slice %arg12[%dma_wait3A_56] : memref<56xi32, #tpu.memory_space<vmem>> -> memref<40xi32, #tpu.memory_space<vmem>>
      %dma_wait3A_58 = tpu.memref_slice %arg7[%add3A_43] : memref<320000xi32, #tpu.memory_space<hbm>> -> memref<40xi32, #tpu.memory_space<hbm>>
      %dma_wait3A_59 = arith.constant 0 : i32
      %dma_wait3A_60 = tpu.memref_slice %arg12[%dma_wait3A_59] : memref<56xi32, #tpu.memory_space<vmem>> -> memref<40xi32, #tpu.memory_space<vmem>>
      %dma_wait3A_61 = tpu.memref_slice %arg7[%add3A_43] : memref<320000xi32, #tpu.memory_space<hbm>> -> memref<40xi32, #tpu.memory_space<hbm>>
      tpu.wait_dma2 semaphore(%arg25 : memref<!tpu.dma_semaphore, #tpu.memory_space<semaphore_mem>>) src(%dma_wait3A_61 : memref<40xi32, #tpu.memory_space<hbm>>) dst(%dma_wait3A_60 : memref<40xi32, #tpu.memory_space<vmem>>)
      %dma_wait3A_62 = tpu.memref_slice %arg7[%add3A_43] : memref<320000xi32, #tpu.memory_space<hbm>> -> memref<40xi32, #tpu.memory_space<hbm>>
      %dma_wait3A_63 = tpu.memref_slice %arg7[%add3A_43] : memref<320000xi32, #tpu.memory_space<hbm>> -> memref<40xi32, #tpu.memory_space<hbm>>
      tpu.wait_dma2 semaphore(%arg26 : memref<!tpu.dma_semaphore, #tpu.memory_space<semaphore_mem>>) src(%dma_wait3A_63 : memref<40xi32, #tpu.memory_space<hbm>>) dst(%arg13 : memref<40xi32, #tpu.memory_space<vmem>>)
      %dma_wait3A_64 = tpu.memref_slice %arg8[%add3A_43] : memref<320000xi32, #tpu.memory_space<hbm>> -> memref<40xi32, #tpu.memory_space<hbm>>
      %dma_wait3A_65 = tpu.memref_slice %arg8[%add3A_43] : memref<320000xi32, #tpu.memory_space<hbm>> -> memref<40xi32, #tpu.memory_space<hbm>>
      tpu.wait_dma2 semaphore(%arg27 : memref<!tpu.dma_semaphore, #tpu.memory_space<semaphore_mem>>) src(%dma_wait3A_65 : memref<40xi32, #tpu.memory_space<hbm>>) dst(%arg20 : memref<40xi32, #tpu.memory_space<vmem>>)
      %dma_start3A_66 = arith.constant 0 : i32
      %dma_start3A_67 = arith.constant 0 : i32
      %dma_start3A_68 = tpu.memref_slice %arg3[%dma_start3A_66, %dma_start3A_67] : memref<10000x128xf32, #tpu.memory_space<hbm>> -> memref<10000x128xf32, #tpu.memory_space<hbm>>
      tpu.enqueue_indirect_dma source(%dma_start3A_68 : memref<10000x128xf32, #tpu.memory_space<hbm>>) target(%arg14 : memref<40x128xf32, #tpu.memory_space<vmem>>) offsets(%arg11 : memref<40xi32, #tpu.memory_space<vmem>>) semaphore(%arg24 : memref<!tpu.dma_semaphore, #tpu.memory_space<semaphore_mem>>)
      %dma_start3A_69 = arith.constant 0 : i32
      %dma_start3A_70 = arith.constant 0 : i32
      %dma_start3A_71 = tpu.memref_slice %arg4[%dma_start3A_69, %dma_start3A_70] : memref<10000x128xf32, #tpu.memory_space<hbm>> -> memref<10000x128xf32, #tpu.memory_space<hbm>>
      tpu.enqueue_indirect_dma source(%dma_start3A_71 : memref<10000x128xf32, #tpu.memory_space<hbm>>) target(%arg16 : memref<40x128xf32, #tpu.memory_space<vmem>>) offsets(%arg11 : memref<40xi32, #tpu.memory_space<vmem>>) semaphore(%arg25 : memref<!tpu.dma_semaphore, #tpu.memory_space<semaphore_mem>>)
      %dma_start3A_72 = arith.constant 0 : i32
      %dma_start3A_73 = arith.constant 0 : i32
      %dma_start3A_74 = tpu.memref_slice %arg2[%dma_start3A_72, %dma_start3A_73] : memref<10000x128xf32, #tpu.memory_space<hbm>> -> memref<10000x128xf32, #tpu.memory_space<hbm>>
      tpu.enqueue_indirect_dma source(%dma_start3A_74 : memref<10000x128xf32, #tpu.memory_space<hbm>>) target(%arg15 : memref<40x128xf32, #tpu.memory_space<vmem>>) offsets(%arg13 : memref<40xi32, #tpu.memory_space<vmem>>) semaphore(%arg26 : memref<!tpu.dma_semaphore, #tpu.memory_space<semaphore_mem>>)
      %dma_start3A_75 = arith.constant 0 : i32
      %dma_start3A_76 = tpu.memref_slice %arg5[%add3A_43, %dma_start3A_75] : memref<320000x16xf32, #tpu.memory_space<hbm>> -> memref<40x16xf32, #tpu.memory_space<hbm>>
      %dma_start3A_77 = arith.constant 0 : i32
      %dma_start3A_78 = tpu.memref_slice %arg5[%add3A_43, %dma_start3A_77] : memref<320000x16xf32, #tpu.memory_space<hbm>> -> memref<40x16xf32, #tpu.memory_space<hbm>>
      tpu.enqueue_dma source(%dma_start3A_78 : memref<40x16xf32, #tpu.memory_space<hbm>>) target(%arg17 : memref<40x16xf32, #tpu.memory_space<vmem>>) target_semaphore(%arg27 : memref<!tpu.dma_semaphore, #tpu.memory_space<semaphore_mem>>)
      %dma_wait3A_79 = arith.constant 0 : i32
      %dma_wait3A_80 = arith.constant 0 : i32
      %dma_wait3A_81 = tpu.memref_slice %arg3[%dma_wait3A_79, %dma_wait3A_80] : memref<10000x128xf32, #tpu.memory_space<hbm>> -> memref<10000x128xf32, #tpu.memory_space<hbm>>
      tpu.wait_indirect_dma semaphore(%arg24 : memref<!tpu.dma_semaphore, #tpu.memory_space<semaphore_mem>>) src(%dma_wait3A_81 : memref<10000x128xf32, #tpu.memory_space<hbm>>) dst(%arg14 : memref<40x128xf32, #tpu.memory_space<vmem>>)
      %dma_wait3A_82 = arith.constant 0 : i32
      %dma_wait3A_83 = arith.constant 0 : i32
      %dma_wait3A_84 = tpu.memref_slice %arg4[%dma_wait3A_82, %dma_wait3A_83] : memref<10000x128xf32, #tpu.memory_space<hbm>> -> memref<10000x128xf32, #tpu.memory_space<hbm>>
      tpu.wait_indirect_dma semaphore(%arg25 : memref<!tpu.dma_semaphore, #tpu.memory_space<semaphore_mem>>) src(%dma_wait3A_84 : memref<10000x128xf32, #tpu.memory_space<hbm>>) dst(%arg16 : memref<40x128xf32, #tpu.memory_space<vmem>>)
      %dma_wait3A_85 = arith.constant 0 : i32
      %dma_wait3A_86 = arith.constant 0 : i32
      %dma_wait3A_87 = tpu.memref_slice %arg2[%dma_wait3A_85, %dma_wait3A_86] : memref<10000x128xf32, #tpu.memory_space<hbm>> -> memref<10000x128xf32, #tpu.memory_space<hbm>>
      tpu.wait_indirect_dma semaphore(%arg26 : memref<!tpu.dma_semaphore, #tpu.memory_space<semaphore_mem>>) src(%dma_wait3A_87 : memref<10000x128xf32, #tpu.memory_space<hbm>>) dst(%arg15 : memref<40x128xf32, #tpu.memory_space<vmem>>)
      %dma_wait3A_88 = arith.constant 0 : i32
      %dma_wait3A_89 = tpu.memref_slice %arg5[%add3A_43, %dma_wait3A_88] : memref<320000x16xf32, #tpu.memory_space<hbm>> -> memref<40x16xf32, #tpu.memory_space<hbm>>
      %dma_wait3A_90 = arith.constant 0 : i32
      %dma_wait3A_91 = tpu.memref_slice %arg5[%add3A_43, %dma_wait3A_90] : memref<320000x16xf32, #tpu.memory_space<hbm>> -> memref<40x16xf32, #tpu.memory_space<hbm>>
      tpu.wait_dma2 semaphore(%arg27 : memref<!tpu.dma_semaphore, #tpu.memory_space<semaphore_mem>>) src(%dma_wait3A_91 : memref<40x16xf32, #tpu.memory_space<hbm>>) dst(%arg17 : memref<40x16xf32, #tpu.memory_space<vmem>>)
      %scan3A_92 = arith.constant 0 : i32
      %scan3A_93 = arith.constant 0 : i32
      %scan3A_94 = arith.constant 40 : i32
      %scan3A_95 = arith.addi %scan3A_93, %scan3A_94 : i32
      %scan3A_96 = arith.constant 1 : i32
      scf.for %scan3A_110 = %scan3A_93 to %scan3A_95 step %scan3A_96  : i32 {
        %get3A = arith.index_cast %scan3A_110 : i32 to index
        %get3A_111 = arith.constant 0 : index
        %get3A_112 = tpu.vector_load %arg17[%get3A, %get3A_111] {strides = array<i32>} : memref<40x16xf32, #tpu.memory_space<vmem>>, vector<1x16xf32>,
        %get3A_113 = vector.shape_cast %get3A_112 : vector<1x16xf32> to vector<16xf32>
        %broadcast_in_dim3A_114 = arith.constant 0.000000e+00 : f32
        %broadcast_in_dim3A_115 = vector.broadcast %broadcast_in_dim3A_114 : f32 to vector<16xf32>
        %get3A_116 = arith.index_cast %scan3A_110 : i32 to index
        %get3A_117 = arith.constant 0 : index
        %get3A_118 = tpu.vector_load %arg14[%get3A_116, %get3A_117] {strides = array<i32>} : memref<40x128xf32, #tpu.memory_space<vmem>>, vector<1x16xf32>,
        %get3A_119 = vector.shape_cast %get3A_118 : vector<1x16xf32> to vector<16xf32>
        %get3A_120 = arith.index_cast %scan3A_110 : i32 to index
        %get3A_121 = arith.constant 0 : index
        %get3A_122 = tpu.vector_load %arg15[%get3A_120, %get3A_121] {strides = array<i32>} : memref<40x128xf32, #tpu.memory_space<vmem>>, vector<1x16xf32>,
        %get3A_123 = vector.shape_cast %get3A_122 : vector<1x16xf32> to vector<16xf32>
        %add3A_124 = arith.addf %get3A_119, %get3A_113 : vector<16xf32>
        %mul3A_125 = arith.mulf %add3A_124, %get3A_123 : vector<16xf32>
        %xor3A = arith.constant 8 : i32
        %xor3A_126 = vector.broadcast %xor3A : i32 to vector<16xi32>
        %xor3A_127 = arith.xori %iota3A, %xor3A_126 : vector<16xi32>
        %broadcast_in_dim3A_128 = vector.shape_cast %xor3A_127 : vector<16xi32> to vector<16x1xi32>
        %gather3A = vector.shape_cast %broadcast_in_dim3A_128 : vector<16x1xi32> to vector<16xi32>
        %gather3A_129 = tpu.dynamic_gather %mul3A_125[%gather3A] in [0] : vector<16xf32>, vector<16xi32> -> vector<16xf32>
        %add3A_130 = arith.addf %mul3A_125, %gather3A_129 : vector<16xf32>
        %xor3A_131 = arith.constant 4 : i32
        %xor3A_132 = vector.broadcast %xor3A_131 : i32 to vector<16xi32>
        %xor3A_133 = arith.xori %iota3A, %xor3A_132 : vector<16xi32>
        %broadcast_in_dim3A_134 = vector.shape_cast %xor3A_133 : vector<16xi32> to vector<16x1xi32>
        %gather3A_135 = vector.shape_cast %broadcast_in_dim3A_134 : vector<16x1xi32> to vector<16xi32>
        %gather3A_136 = tpu.dynamic_gather %add3A_130[%gather3A_135] in [0] : vector<16xf32>, vector<16xi32> -> vector<16xf32>
        %add3A_137 = arith.addf %add3A_130, %gather3A_136 : vector<16xf32>
        %xor3A_138 = arith.constant 2 : i32
        %xor3A_139 = vector.broadcast %xor3A_138 : i32 to vector<16xi32>
        %xor3A_140 = arith.xori %iota3A, %xor3A_139 : vector<16xi32>
        %broadcast_in_dim3A_141 = vector.shape_cast %xor3A_140 : vector<16xi32> to vector<16x1xi32>
        %gather3A_142 = vector.shape_cast %broadcast_in_dim3A_141 : vector<16x1xi32> to vector<16xi32>
        %gather3A_143 = tpu.dynamic_gather %add3A_137[%gather3A_142] in [0] : vector<16xf32>, vector<16xi32> -> vector<16xf32>
        %add3A_144 = arith.addf %add3A_137, %gather3A_143 : vector<16xf32>
        %xor3A_145 = arith.constant 1 : i32
        %xor3A_146 = vector.broadcast %xor3A_145 : i32 to vector<16xi32>
        %xor3A_147 = arith.xori %iota3A, %xor3A_146 : vector<16xi32>
        %broadcast_in_dim3A_148 = vector.shape_cast %xor3A_147 : vector<16xi32> to vector<16x1xi32>
        %gather3A_149 = vector.shape_cast %broadcast_in_dim3A_148 : vector<16x1xi32> to vector<16xi32>
        %gather3A_150 = tpu.dynamic_gather %add3A_144[%gather3A_149] in [0] : vector<16xf32>, vector<16xi32> -> vector<16xf32>
        %add3A_151 = arith.addf %add3A_144, %gather3A_150 : vector<16xf32>
        %eq3A = arith.constant 0 : i32
        %eq3A_152 = vector.broadcast %eq3A : i32 to vector<16xi32>
        %eq3A_153 = arith.cmpi eq, %iota3A, %eq3A_152 : vector<16xi32>
        %select_n3A = arith.select %eq3A_153, %add3A_151, %broadcast_in_dim3A_115 : vector<16xi1>, vector<16xf32>
        %get3A_154 = arith.index_cast %scan3A_110 : i32 to index
        %get3A_155 = arith.constant 16 : index
        %get3A_156 = tpu.vector_load %arg14[%get3A_154, %get3A_155] {strides = array<i32>} : memref<40x128xf32, #tpu.memory_space<vmem>>, vector<1x16xf32>,
        %get3A_157 = vector.shape_cast %get3A_156 : vector<1x16xf32> to vector<16xf32>
        %get3A_158 = arith.index_cast %scan3A_110 : i32 to index
        %get3A_159 = arith.constant 16 : index
        %get3A_160 = tpu.vector_load %arg15[%get3A_158, %get3A_159] {strides = array<i32>} : memref<40x128xf32, #tpu.memory_space<vmem>>, vector<1x16xf32>,
        %get3A_161 = vector.shape_cast %get3A_160 : vector<1x16xf32> to vector<16xf32>
        %add3A_162 = arith.addf %get3A_157, %get3A_113 : vector<16xf32>
        %mul3A_163 = arith.mulf %add3A_162, %get3A_161 : vector<16xf32>
        %xor3A_164 = arith.constant 8 : i32
        %xor3A_165 = vector.broadcast %xor3A_164 : i32 to vector<16xi32>
        %xor3A_166 = arith.xori %iota3A, %xor3A_165 : vector<16xi32>
        %broadcast_in_dim3A_167 = vector.shape_cast %xor3A_166 : vector<16xi32> to vector<16x1xi32>
        %gather3A_168 = vector.shape_cast %broadcast_in_dim3A_167 : vector<16x1xi32> to vector<16xi32>
        %gather3A_169 = tpu.dynamic_gather %mul3A_163[%gather3A_168] in [0] : vector<16xf32>, vector<16xi32> -> vector<16xf32>
        %add3A_170 = arith.addf %mul3A_163, %gather3A_169 : vector<16xf32>
        %xor3A_171 = arith.constant 4 : i32
        %xor3A_172 = vector.broadcast %xor3A_171 : i32 to vector<16xi32>
        %xor3A_173 = arith.xori %iota3A, %xor3A_172 : vector<16xi32>
        %broadcast_in_dim3A_174 = vector.shape_cast %xor3A_173 : vector<16xi32> to vector<16x1xi32>
        %gather3A_175 = vector.shape_cast %broadcast_in_dim3A_174 : vector<16x1xi32> to vector<16xi32>
        %gather3A_176 = tpu.dynamic_gather %add3A_170[%gather3A_175] in [0] : vector<16xf32>, vector<16xi32> -> vector<16xf32>
        %add3A_177 = arith.addf %add3A_170, %gather3A_176 : vector<16xf32>
        %xor3A_178 = arith.constant 2 : i32
        %xor3A_179 = vector.broadcast %xor3A_178 : i32 to vector<16xi32>
        %xor3A_180 = arith.xori %iota3A, %xor3A_179 : vector<16xi32>
        %broadcast_in_dim3A_181 = vector.shape_cast %xor3A_180 : vector<16xi32> to vector<16x1xi32>
        %gather3A_182 = vector.shape_cast %broadcast_in_dim3A_181 : vector<16x1xi32> to vector<16xi32>
        %gather3A_183 = tpu.dynamic_gather %add3A_177[%gather3A_182] in [0] : vector<16xf32>, vector<16xi32> -> vector<16xf32>
        %add3A_184 = arith.addf %add3A_177, %gather3A_183 : vector<16xf32>
        %xor3A_185 = arith.constant 1 : i32
        %xor3A_186 = vector.broadcast %xor3A_185 : i32 to vector<16xi32>
        %xor3A_187 = arith.xori %iota3A, %xor3A_186 : vector<16xi32>
        %broadcast_in_dim3A_188 = vector.shape_cast %xor3A_187 : vector<16xi32> to vector<16x1xi32>
        %gather3A_189 = vector.shape_cast %broadcast_in_dim3A_188 : vector<16x1xi32> to vector<16xi32>
        %gather3A_190 = tpu.dynamic_gather %add3A_184[%gather3A_189] in [0] : vector<16xf32>, vector<16xi32> -> vector<16xf32>
        %add3A_191 = arith.addf %add3A_184, %gather3A_190 : vector<16xf32>
        %eq3A_192 = arith.constant 1 : i32
        %eq3A_193 = vector.broadcast %eq3A_192 : i32 to vector<16xi32>
        %eq3A_194 = arith.cmpi eq, %iota3A, %eq3A_193 : vector<16xi32>
        %select_n3A_195 = arith.select %eq3A_194, %add3A_191, %select_n3A : vector<16xi1>, vector<16xf32>
        %get3A_196 = arith.index_cast %scan3A_110 : i32 to index
        %get3A_197 = arith.constant 32 : index
        %get3A_198 = tpu.vector_load %arg14[%get3A_196, %get3A_197] {strides = array<i32>} : memref<40x128xf32, #tpu.memory_space<vmem>>, vector<1x16xf32>,
        %get3A_199 = vector.shape_cast %get3A_198 : vector<1x16xf32> to vector<16xf32>
        %get3A_200 = arith.index_cast %scan3A_110 : i32 to index
        %get3A_201 = arith.constant 32 : index
        %get3A_202 = tpu.vector_load %arg15[%get3A_200, %get3A_201] {strides = array<i32>} : memref<40x128xf32, #tpu.memory_space<vmem>>, vector<1x16xf32>,
        %get3A_203 = vector.shape_cast %get3A_202 : vector<1x16xf32> to vector<16xf32>
        %add3A_204 = arith.addf %get3A_199, %get3A_113 : vector<16xf32>
        %mul3A_205 = arith.mulf %add3A_204, %get3A_203 : vector<16xf32>
        %xor3A_206 = arith.constant 8 : i32
        %xor3A_207 = vector.broadcast %xor3A_206 : i32 to vector<16xi32>
        %xor3A_208 = arith.xori %iota3A, %xor3A_207 : vector<16xi32>
        %broadcast_in_dim3A_209 = vector.shape_cast %xor3A_208 : vector<16xi32> to vector<16x1xi32>
        %gather3A_210 = vector.shape_cast %broadcast_in_dim3A_209 : vector<16x1xi32> to vector<16xi32>
        %gather3A_211 = tpu.dynamic_gather %mul3A_205[%gather3A_210] in [0] : vector<16xf32>, vector<16xi32> -> vector<16xf32>
        %add3A_212 = arith.addf %mul3A_205, %gather3A_211 : vector<16xf32>
        %xor3A_213 = arith.constant 4 : i32
        %xor3A_214 = vector.broadcast %xor3A_213 : i32 to vector<16xi32>
        %xor3A_215 = arith.xori %iota3A, %xor3A_214 : vector<16xi32>
        %broadcast_in_dim3A_216 = vector.shape_cast %xor3A_215 : vector<16xi32> to vector<16x1xi32>
        %gather3A_217 = vector.shape_cast %broadcast_in_dim3A_216 : vector<16x1xi32> to vector<16xi32>
        %gather3A_218 = tpu.dynamic_gather %add3A_212[%gather3A_217] in [0] : vector<16xf32>, vector<16xi32> -> vector<16xf32>
        %add3A_219 = arith.addf %add3A_212, %gather3A_218 : vector<16xf32>
        %xor3A_220 = arith.constant 2 : i32
        %xor3A_221 = vector.broadcast %xor3A_220 : i32 to vector<16xi32>
        %xor3A_222 = arith.xori %iota3A, %xor3A_221 : vector<16xi32>
        %broadcast_in_dim3A_223 = vector.shape_cast %xor3A_222 : vector<16xi32> to vector<16x1xi32>
        %gather3A_224 = vector.shape_cast %broadcast_in_dim3A_223 : vector<16x1xi32> to vector<16xi32>
        %gather3A_225 = tpu.dynamic_gather %add3A_219[%gather3A_224] in [0] : vector<16xf32>, vector<16xi32> -> vector<16xf32>
        %add3A_226 = arith.addf %add3A_219, %gather3A_225 : vector<16xf32>
        %xor3A_227 = arith.constant 1 : i32
        %xor3A_228 = vector.broadcast %xor3A_227 : i32 to vector<16xi32>
        %xor3A_229 = arith.xori %iota3A, %xor3A_228 : vector<16xi32>
        %broadcast_in_dim3A_230 = vector.shape_cast %xor3A_229 : vector<16xi32> to vector<16x1xi32>
        %gather3A_231 = vector.shape_cast %broadcast_in_dim3A_230 : vector<16x1xi32> to vector<16xi32>
        %gather3A_232 = tpu.dynamic_gather %add3A_226[%gather3A_231] in [0] : vector<16xf32>, vector<16xi32> -> vector<16xf32>
        %add3A_233 = arith.addf %add3A_226, %gather3A_232 : vector<16xf32>
        %eq3A_234 = arith.constant 2 : i32
        %eq3A_235 = vector.broadcast %eq3A_234 : i32 to vector<16xi32>
        %eq3A_236 = arith.cmpi eq, %iota3A, %eq3A_235 : vector<16xi32>
        %select_n3A_237 = arith.select %eq3A_236, %add3A_233, %select_n3A_195 : vector<16xi1>, vector<16xf32>
        %get3A_238 = arith.index_cast %scan3A_110 : i32 to index
        %get3A_239 = arith.constant 48 : index
        %get3A_240 = tpu.vector_load %arg14[%get3A_238, %get3A_239] {strides = array<i32>} : memref<40x128xf32, #tpu.memory_space<vmem>>, vector<1x16xf32>,
        %get3A_241 = vector.shape_cast %get3A_240 : vector<1x16xf32> to vector<16xf32>
        %get3A_242 = arith.index_cast %scan3A_110 : i32 to index
        %get3A_243 = arith.constant 48 : index
        %get3A_244 = tpu.vector_load %arg15[%get3A_242, %get3A_243] {strides = array<i32>} : memref<40x128xf32, #tpu.memory_space<vmem>>, vector<1x16xf32>,
        %get3A_245 = vector.shape_cast %get3A_244 : vector<1x16xf32> to vector<16xf32>
        %add3A_246 = arith.addf %get3A_241, %get3A_113 : vector<16xf32>
        %mul3A_247 = arith.mulf %add3A_246, %get3A_245 : vector<16xf32>
        %xor3A_248 = arith.constant 8 : i32
        %xor3A_249 = vector.broadcast %xor3A_248 : i32 to vector<16xi32>
        %xor3A_250 = arith.xori %iota3A, %xor3A_249 : vector<16xi32>
        %broadcast_in_dim3A_251 = vector.shape_cast %xor3A_250 : vector<16xi32> to vector<16x1xi32>
        %gather3A_252 = vector.shape_cast %broadcast_in_dim3A_251 : vector<16x1xi32> to vector<16xi32>
        %gather3A_253 = tpu.dynamic_gather %mul3A_247[%gather3A_252] in [0] : vector<16xf32>, vector<16xi32> -> vector<16xf32>
        %add3A_254 = arith.addf %mul3A_247, %gather3A_253 : vector<16xf32>
        %xor3A_255 = arith.constant 4 : i32
        %xor3A_256 = vector.broadcast %xor3A_255 : i32 to vector<16xi32>
        %xor3A_257 = arith.xori %iota3A, %xor3A_256 : vector<16xi32>
        %broadcast_in_dim3A_258 = vector.shape_cast %xor3A_257 : vector<16xi32> to vector<16x1xi32>
        %gather3A_259 = vector.shape_cast %broadcast_in_dim3A_258 : vector<16x1xi32> to vector<16xi32>
        %gather3A_260 = tpu.dynamic_gather %add3A_254[%gather3A_259] in [0] : vector<16xf32>, vector<16xi32> -> vector<16xf32>
        %add3A_261 = arith.addf %add3A_254, %gather3A_260 : vector<16xf32>
        %xor3A_262 = arith.constant 2 : i32
        %xor3A_263 = vector.broadcast %xor3A_262 : i32 to vector<16xi32>
        %xor3A_264 = arith.xori %iota3A, %xor3A_263 : vector<16xi32>
        %broadcast_in_dim3A_265 = vector.shape_cast %xor3A_264 : vector<16xi32> to vector<16x1xi32>
        %gather3A_266 = vector.shape_cast %broadcast_in_dim3A_265 : vector<16x1xi32> to vector<16xi32>
        %gather3A_267 = tpu.dynamic_gather %add3A_261[%gather3A_266] in [0] : vector<16xf32>, vector<16xi32> -> vector<16xf32>
        %add3A_268 = arith.addf %add3A_261, %gather3A_267 : vector<16xf32>
        %xor3A_269 = arith.constant 1 : i32
        %xor3A_270 = vector.broadcast %xor3A_269 : i32 to vector<16xi32>
        %xor3A_271 = arith.xori %iota3A, %xor3A_270 : vector<16xi32>
        %broadcast_in_dim3A_272 = vector.shape_cast %xor3A_271 : vector<16xi32> to vector<16x1xi32>
        %gather3A_273 = vector.shape_cast %broadcast_in_dim3A_272 : vector<16x1xi32> to vector<16xi32>
        %gather3A_274 = tpu.dynamic_gather %add3A_268[%gather3A_273] in [0] : vector<16xf32>, vector<16xi32> -> vector<16xf32>
        %add3A_275 = arith.addf %add3A_268, %gather3A_274 : vector<16xf32>
        %eq3A_276 = arith.constant 3 : i32
        %eq3A_277 = vector.broadcast %eq3A_276 : i32 to vector<16xi32>
        %eq3A_278 = arith.cmpi eq, %iota3A, %eq3A_277 : vector<16xi32>
        %select_n3A_279 = arith.select %eq3A_278, %add3A_275, %select_n3A_237 : vector<16xi1>, vector<16xf32>
        %get3A_280 = arith.index_cast %scan3A_110 : i32 to index
        %get3A_281 = arith.constant 64 : index
        %get3A_282 = tpu.vector_load %arg14[%get3A_280, %get3A_281] {strides = array<i32>} : memref<40x128xf32, #tpu.memory_space<vmem>>, vector<1x16xf32>,
        %get3A_283 = vector.shape_cast %get3A_282 : vector<1x16xf32> to vector<16xf32>
        %get3A_284 = arith.index_cast %scan3A_110 : i32 to index
        %get3A_285 = arith.constant 64 : index
        %get3A_286 = tpu.vector_load %arg15[%get3A_284, %get3A_285] {strides = array<i32>} : memref<40x128xf32, #tpu.memory_space<vmem>>, vector<1x16xf32>,
        %get3A_287 = vector.shape_cast %get3A_286 : vector<1x16xf32> to vector<16xf32>
        %add3A_288 = arith.addf %get3A_283, %get3A_113 : vector<16xf32>
        %mul3A_289 = arith.mulf %add3A_288, %get3A_287 : vector<16xf32>
        %xor3A_290 = arith.constant 8 : i32
        %xor3A_291 = vector.broadcast %xor3A_290 : i32 to vector<16xi32>
        %xor3A_292 = arith.xori %iota3A, %xor3A_291 : vector<16xi32>
        %broadcast_in_dim3A_293 = vector.shape_cast %xor3A_292 : vector<16xi32> to vector<16x1xi32>
        %gather3A_294 = vector.shape_cast %broadcast_in_dim3A_293 : vector<16x1xi32> to vector<16xi32>
        %gather3A_295 = tpu.dynamic_gather %mul3A_289[%gather3A_294] in [0] : vector<16xf32>, vector<16xi32> -> vector<16xf32>
        %add3A_296 = arith.addf %mul3A_289, %gather3A_295 : vector<16xf32>
        %xor3A_297 = arith.constant 4 : i32
        %xor3A_298 = vector.broadcast %xor3A_297 : i32 to vector<16xi32>
        %xor3A_299 = arith.xori %iota3A, %xor3A_298 : vector<16xi32>
        %broadcast_in_dim3A_300 = vector.shape_cast %xor3A_299 : vector<16xi32> to vector<16x1xi32>
        %gather3A_301 = vector.shape_cast %broadcast_in_dim3A_300 : vector<16x1xi32> to vector<16xi32>
        %gather3A_302 = tpu.dynamic_gather %add3A_296[%gather3A_301] in [0] : vector<16xf32>, vector<16xi32> -> vector<16xf32>
        %add3A_303 = arith.addf %add3A_296, %gather3A_302 : vector<16xf32>
        %xor3A_304 = arith.constant 2 : i32
        %xor3A_305 = vector.broadcast %xor3A_304 : i32 to vector<16xi32>
        %xor3A_306 = arith.xori %iota3A, %xor3A_305 : vector<16xi32>
        %broadcast_in_dim3A_307 = vector.shape_cast %xor3A_306 : vector<16xi32> to vector<16x1xi32>
        %gather3A_308 = vector.shape_cast %broadcast_in_dim3A_307 : vector<16x1xi32> to vector<16xi32>
        %gather3A_309 = tpu.dynamic_gather %add3A_303[%gather3A_308] in [0] : vector<16xf32>, vector<16xi32> -> vector<16xf32>
        %add3A_310 = arith.addf %add3A_303, %gather3A_309 : vector<16xf32>
        %xor3A_311 = arith.constant 1 : i32
        %xor3A_312 = vector.broadcast %xor3A_311 : i32 to vector<16xi32>
        %xor3A_313 = arith.xori %iota3A, %xor3A_312 : vector<16xi32>
        %broadcast_in_dim3A_314 = vector.shape_cast %xor3A_313 : vector<16xi32> to vector<16x1xi32>
        %gather3A_315 = vector.shape_cast %broadcast_in_dim3A_314 : vector<16x1xi32> to vector<16xi32>
        %gather3A_316 = tpu.dynamic_gather %add3A_310[%gather3A_315] in [0] : vector<16xf32>, vector<16xi32> -> vector<16xf32>
        %add3A_317 = arith.addf %add3A_310, %gather3A_316 : vector<16xf32>
        %eq3A_318 = arith.constant 4 : i32
        %eq3A_319 = vector.broadcast %eq3A_318 : i32 to vector<16xi32>
        %eq3A_320 = arith.cmpi eq, %iota3A, %eq3A_319 : vector<16xi32>
        %select_n3A_321 = arith.select %eq3A_320, %add3A_317, %select_n3A_279 : vector<16xi1>, vector<16xf32>
        %get3A_322 = arith.index_cast %scan3A_110 : i32 to index
        %get3A_323 = arith.constant 80 : index
        %get3A_324 = tpu.vector_load %arg14[%get3A_322, %get3A_323] {strides = array<i32>} : memref<40x128xf32, #tpu.memory_space<vmem>>, vector<1x16xf32>,
        %get3A_325 = vector.shape_cast %get3A_324 : vector<1x16xf32> to vector<16xf32>
        %get3A_326 = arith.index_cast %scan3A_110 : i32 to index
        %get3A_327 = arith.constant 80 : index
        %get3A_328 = tpu.vector_load %arg15[%get3A_326, %get3A_327] {strides = array<i32>} : memref<40x128xf32, #tpu.memory_space<vmem>>, vector<1x16xf32>,
        %get3A_329 = vector.shape_cast %get3A_328 : vector<1x16xf32> to vector<16xf32>
        %add3A_330 = arith.addf %get3A_325, %get3A_113 : vector<16xf32>
        %mul3A_331 = arith.mulf %add3A_330, %get3A_329 : vector<16xf32>
        %xor3A_332 = arith.constant 8 : i32
        %xor3A_333 = vector.broadcast %xor3A_332 : i32 to vector<16xi32>
        %xor3A_334 = arith.xori %iota3A, %xor3A_333 : vector<16xi32>
        %broadcast_in_dim3A_335 = vector.shape_cast %xor3A_334 : vector<16xi32> to vector<16x1xi32>
        %gather3A_336 = vector.shape_cast %broadcast_in_dim3A_335 : vector<16x1xi32> to vector<16xi32>
        %gather3A_337 = tpu.dynamic_gather %mul3A_331[%gather3A_336] in [0] : vector<16xf32>, vector<16xi32> -> vector<16xf32>
        %add3A_338 = arith.addf %mul3A_331, %gather3A_337 : vector<16xf32>
        %xor3A_339 = arith.constant 4 : i32
        %xor3A_340 = vector.broadcast %xor3A_339 : i32 to vector<16xi32>
        %xor3A_341 = arith.xori %iota3A, %xor3A_340 : vector<16xi32>
        %broadcast_in_dim3A_342 = vector.shape_cast %xor3A_341 : vector<16xi32> to vector<16x1xi32>
        %gather3A_343 = vector.shape_cast %broadcast_in_dim3A_342 : vector<16x1xi32> to vector<16xi32>
        %gather3A_344 = tpu.dynamic_gather %add3A_338[%gather3A_343] in [0] : vector<16xf32>, vector<16xi32> -> vector<16xf32>
        %add3A_345 = arith.addf %add3A_338, %gather3A_344 : vector<16xf32>
        %xor3A_346 = arith.constant 2 : i32
        %xor3A_347 = vector.broadcast %xor3A_346 : i32 to vector<16xi32>
        %xor3A_348 = arith.xori %iota3A, %xor3A_347 : vector<16xi32>
        %broadcast_in_dim3A_349 = vector.shape_cast %xor3A_348 : vector<16xi32> to vector<16x1xi32>
        %gather3A_350 = vector.shape_cast %broadcast_in_dim3A_349 : vector<16x1xi32> to vector<16xi32>
        %gather3A_351 = tpu.dynamic_gather %add3A_345[%gather3A_350] in [0] : vector<16xf32>, vector<16xi32> -> vector<16xf32>
        %add3A_352 = arith.addf %add3A_345, %gather3A_351 : vector<16xf32>
        %xor3A_353 = arith.constant 1 : i32
        %xor3A_354 = vector.broadcast %xor3A_353 : i32 to vector<16xi32>
        %xor3A_355 = arith.xori %iota3A, %xor3A_354 : vector<16xi32>
        %broadcast_in_dim3A_356 = vector.shape_cast %xor3A_355 : vector<16xi32> to vector<16x1xi32>
        %gather3A_357 = vector.shape_cast %broadcast_in_dim3A_356 : vector<16x1xi32> to vector<16xi32>
        %gather3A_358 = tpu.dynamic_gather %add3A_352[%gather3A_357] in [0] : vector<16xf32>, vector<16xi32> -> vector<16xf32>
        %add3A_359 = arith.addf %add3A_352, %gather3A_358 : vector<16xf32>
        %eq3A_360 = arith.constant 5 : i32
        %eq3A_361 = vector.broadcast %eq3A_360 : i32 to vector<16xi32>
        %eq3A_362 = arith.cmpi eq, %iota3A, %eq3A_361 : vector<16xi32>
        %select_n3A_363 = arith.select %eq3A_362, %add3A_359, %select_n3A_321 : vector<16xi1>, vector<16xf32>
        %get3A_364 = arith.index_cast %scan3A_110 : i32 to index
        %get3A_365 = arith.constant 96 : index
        %get3A_366 = tpu.vector_load %arg14[%get3A_364, %get3A_365] {strides = array<i32>} : memref<40x128xf32, #tpu.memory_space<vmem>>, vector<1x16xf32>,
        %get3A_367 = vector.shape_cast %get3A_366 : vector<1x16xf32> to vector<16xf32>
        %get3A_368 = arith.index_cast %scan3A_110 : i32 to index
        %get3A_369 = arith.constant 96 : index
        %get3A_370 = tpu.vector_load %arg15[%get3A_368, %get3A_369] {strides = array<i32>} : memref<40x128xf32, #tpu.memory_space<vmem>>, vector<1x16xf32>,
        %get3A_371 = vector.shape_cast %get3A_370 : vector<1x16xf32> to vector<16xf32>
        %add3A_372 = arith.addf %get3A_367, %get3A_113 : vector<16xf32>
        %mul3A_373 = arith.mulf %add3A_372, %get3A_371 : vector<16xf32>
        %xor3A_374 = arith.constant 8 : i32
        %xor3A_375 = vector.broadcast %xor3A_374 : i32 to vector<16xi32>
        %xor3A_376 = arith.xori %iota3A, %xor3A_375 : vector<16xi32>
        %broadcast_in_dim3A_377 = vector.shape_cast %xor3A_376 : vector<16xi32> to vector<16x1xi32>
        %gather3A_378 = vector.shape_cast %broadcast_in_dim3A_377 : vector<16x1xi32> to vector<16xi32>
        %gather3A_379 = tpu.dynamic_gather %mul3A_373[%gather3A_378] in [0] : vector<16xf32>, vector<16xi32> -> vector<16xf32>
        %add3A_380 = arith.addf %mul3A_373, %gather3A_379 : vector<16xf32>
        %xor3A_381 = arith.constant 4 : i32
        %xor3A_382 = vector.broadcast %xor3A_381 : i32 to vector<16xi32>
        %xor3A_383 = arith.xori %iota3A, %xor3A_382 : vector<16xi32>
        %broadcast_in_dim3A_384 = vector.shape_cast %xor3A_383 : vector<16xi32> to vector<16x1xi32>
        %gather3A_385 = vector.shape_cast %broadcast_in_dim3A_384 : vector<16x1xi32> to vector<16xi32>
        %gather3A_386 = tpu.dynamic_gather %add3A_380[%gather3A_385] in [0] : vector<16xf32>, vector<16xi32> -> vector<16xf32>
        %add3A_387 = arith.addf %add3A_380, %gather3A_386 : vector<16xf32>
        %xor3A_388 = arith.constant 2 : i32
        %xor3A_389 = vector.broadcast %xor3A_388 : i32 to vector<16xi32>
        %xor3A_390 = arith.xori %iota3A, %xor3A_389 : vector<16xi32>
        %broadcast_in_dim3A_391 = vector.shape_cast %xor3A_390 : vector<16xi32> to vector<16x1xi32>
        %gather3A_392 = vector.shape_cast %broadcast_in_dim3A_391 : vector<16x1xi32> to vector<16xi32>
        %gather3A_393 = tpu.dynamic_gather %add3A_387[%gather3A_392] in [0] : vector<16xf32>, vector<16xi32> -> vector<16xf32>
        %add3A_394 = arith.addf %add3A_387, %gather3A_393 : vector<16xf32>
        %xor3A_395 = arith.constant 1 : i32
        %xor3A_396 = vector.broadcast %xor3A_395 : i32 to vector<16xi32>
        %xor3A_397 = arith.xori %iota3A, %xor3A_396 : vector<16xi32>
        %broadcast_in_dim3A_398 = vector.shape_cast %xor3A_397 : vector<16xi32> to vector<16x1xi32>
        %gather3A_399 = vector.shape_cast %broadcast_in_dim3A_398 : vector<16x1xi32> to vector<16xi32>
        %gather3A_400 = tpu.dynamic_gather %add3A_394[%gather3A_399] in [0] : vector<16xf32>, vector<16xi32> -> vector<16xf32>
        %add3A_401 = arith.addf %add3A_394, %gather3A_400 : vector<16xf32>
        %eq3A_402 = arith.constant 6 : i32
        %eq3A_403 = vector.broadcast %eq3A_402 : i32 to vector<16xi32>
        %eq3A_404 = arith.cmpi eq, %iota3A, %eq3A_403 : vector<16xi32>
        %select_n3A_405 = arith.select %eq3A_404, %add3A_401, %select_n3A_363 : vector<16xi1>, vector<16xf32>
        %get3A_406 = arith.index_cast %scan3A_110 : i32 to index
        %get3A_407 = arith.constant 112 : index
        %get3A_408 = tpu.vector_load %arg14[%get3A_406, %get3A_407] {strides = array<i32>} : memref<40x128xf32, #tpu.memory_space<vmem>>, vector<1x16xf32>,
        %get3A_409 = vector.shape_cast %get3A_408 : vector<1x16xf32> to vector<16xf32>
        %get3A_410 = arith.index_cast %scan3A_110 : i32 to index
        %get3A_411 = arith.constant 112 : index
        %get3A_412 = tpu.vector_load %arg15[%get3A_410, %get3A_411] {strides = array<i32>} : memref<40x128xf32, #tpu.memory_space<vmem>>, vector<1x16xf32>,
        %get3A_413 = vector.shape_cast %get3A_412 : vector<1x16xf32> to vector<16xf32>
        %add3A_414 = arith.addf %get3A_409, %get3A_113 : vector<16xf32>
        %mul3A_415 = arith.mulf %add3A_414, %get3A_413 : vector<16xf32>
        %xor3A_416 = arith.constant 8 : i32
        %xor3A_417 = vector.broadcast %xor3A_416 : i32 to vector<16xi32>
        %xor3A_418 = arith.xori %iota3A, %xor3A_417 : vector<16xi32>
        %broadcast_in_dim3A_419 = vector.shape_cast %xor3A_418 : vector<16xi32> to vector<16x1xi32>
        %gather3A_420 = vector.shape_cast %broadcast_in_dim3A_419 : vector<16x1xi32> to vector<16xi32>
        %gather3A_421 = tpu.dynamic_gather %mul3A_415[%gather3A_420] in [0] : vector<16xf32>, vector<16xi32> -> vector<16xf32>
        %add3A_422 = arith.addf %mul3A_415, %gather3A_421 : vector<16xf32>
        %xor3A_423 = arith.constant 4 : i32
        %xor3A_424 = vector.broadcast %xor3A_423 : i32 to vector<16xi32>
        %xor3A_425 = arith.xori %iota3A, %xor3A_424 : vector<16xi32>
        %broadcast_in_dim3A_426 = vector.shape_cast %xor3A_425 : vector<16xi32> to vector<16x1xi32>
        %gather3A_427 = vector.shape_cast %broadcast_in_dim3A_426 : vector<16x1xi32> to vector<16xi32>
        %gather3A_428 = tpu.dynamic_gather %add3A_422[%gather3A_427] in [0] : vector<16xf32>, vector<16xi32> -> vector<16xf32>
        %add3A_429 = arith.addf %add3A_422, %gather3A_428 : vector<16xf32>
        %xor3A_430 = arith.constant 2 : i32
        %xor3A_431 = vector.broadcast %xor3A_430 : i32 to vector<16xi32>
        %xor3A_432 = arith.xori %iota3A, %xor3A_431 : vector<16xi32>
        %broadcast_in_dim3A_433 = vector.shape_cast %xor3A_432 : vector<16xi32> to vector<16x1xi32>
        %gather3A_434 = vector.shape_cast %broadcast_in_dim3A_433 : vector<16x1xi32> to vector<16xi32>
        %gather3A_435 = tpu.dynamic_gather %add3A_429[%gather3A_434] in [0] : vector<16xf32>, vector<16xi32> -> vector<16xf32>
        %add3A_436 = arith.addf %add3A_429, %gather3A_435 : vector<16xf32>
        %xor3A_437 = arith.constant 1 : i32
        %xor3A_438 = vector.broadcast %xor3A_437 : i32 to vector<16xi32>
        %xor3A_439 = arith.xori %iota3A, %xor3A_438 : vector<16xi32>
        %broadcast_in_dim3A_440 = vector.shape_cast %xor3A_439 : vector<16xi32> to vector<16x1xi32>
        %gather3A_441 = vector.shape_cast %broadcast_in_dim3A_440 : vector<16x1xi32> to vector<16xi32>
        %gather3A_442 = tpu.dynamic_gather %add3A_436[%gather3A_441] in [0] : vector<16xf32>, vector<16xi32> -> vector<16xf32>
        %add3A_443 = arith.addf %add3A_436, %gather3A_442 : vector<16xf32>
        %eq3A_444 = arith.constant 7 : i32
        %eq3A_445 = vector.broadcast %eq3A_444 : i32 to vector<16xi32>
        %eq3A_446 = arith.cmpi eq, %iota3A, %eq3A_445 : vector<16xi32>
        %select_n3A_447 = arith.select %eq3A_446, %add3A_443, %select_n3A_405 : vector<16xi1>, vector<16xf32>
        %mul3A_448 = arith.constant 2.500000e-01 : f32
        %mul3A_449 = vector.broadcast %mul3A_448 : f32 to vector<16xf32>
        %mul3A_450 = arith.mulf %select_n3A_447, %mul3A_449 : vector<16xf32>
        %max3A = arith.constant -5.000000e+00 : f32
        %max3A_451 = vector.broadcast %max3A : f32 to vector<16xf32>
        %max3A_452 = arith.maximumf %mul3A_450, %max3A_451 : vector<16xf32>
        %min3A = arith.constant 5.000000e+00 : f32
        %min3A_453 = vector.broadcast %min3A : f32 to vector<16xf32>
        %min3A_454 = arith.minimumf %max3A_452, %min3A_453 : vector<16xf32>
        %exp3A = math.exp %min3A_454 : vector<16xf32>
        %broadcast_in_dim3A_455 = arith.constant 0 : i32
        %broadcast_in_dim3A_456 = vector.broadcast %broadcast_in_dim3A_455 : i32 to vector<16xi32>
        %broadcast_in_dim3A_457 = vector.shape_cast %broadcast_in_dim3A_456 : vector<16xi32> to vector<16x1xi32>
        %gather3A_458 = vector.shape_cast %broadcast_in_dim3A_457 : vector<16x1xi32> to vector<16xi32>
        %gather3A_459 = tpu.dynamic_gather %exp3A[%gather3A_458] in [0] : vector<16xf32>, vector<16xi32> -> vector<16xf32>
        %get3A_460 = arith.index_cast %scan3A_110 : i32 to index
        %get3A_461 = arith.constant 0 : index
        %get3A_462 = tpu.vector_load %arg16[%get3A_460, %get3A_461] {strides = array<i32>} : memref<40x128xf32, #tpu.memory_space<vmem>>, vector<1x16xf32>,
        %get3A_463 = vector.shape_cast %get3A_462 : vector<1x16xf32> to vector<16xf32>
        %add3A_464 = arith.addf %get3A_463, %get3A_113 : vector<16xf32>
        %mul3A_465 = arith.mulf %add3A_464, %gather3A_459 : vector<16xf32>
        %swap3A = arith.index_cast %scan3A_110 : i32 to index
        %swap3A_466 = arith.constant 0 : index
        %swap3A_467 = tpu.vector_load %arg18[%swap3A, %swap3A_466] {strides = array<i32>} : memref<40x128xf32, #tpu.memory_space<vmem>>, vector<1x16xf32>,
        %swap3A_468 = vector.shape_cast %swap3A_467 : vector<1x16xf32> to vector<16xf32>
        %swap3A_469 = vector.shape_cast %mul3A_465 : vector<16xf32> to vector<1x16xf32>
        tpu.vector_store %arg18[%swap3A, %swap3A_466], %swap3A_469 {strides = array<i32>} : memref<40x128xf32, #tpu.memory_space<vmem>>, vector<1x16xf32>,
        %broadcast_in_dim3A_470 = arith.constant 1 : i32
        %broadcast_in_dim3A_471 = vector.broadcast %broadcast_in_dim3A_470 : i32 to vector<16xi32>
        %broadcast_in_dim3A_472 = vector.shape_cast %broadcast_in_dim3A_471 : vector<16xi32> to vector<16x1xi32>
        %gather3A_473 = vector.shape_cast %broadcast_in_dim3A_472 : vector<16x1xi32> to vector<16xi32>
        %gather3A_474 = tpu.dynamic_gather %exp3A[%gather3A_473] in [0] : vector<16xf32>, vector<16xi32> -> vector<16xf32>
        %get3A_475 = arith.index_cast %scan3A_110 : i32 to index
        %get3A_476 = arith.constant 16 : index
        %get3A_477 = tpu.vector_load %arg16[%get3A_475, %get3A_476] {strides = array<i32>} : memref<40x128xf32, #tpu.memory_space<vmem>>, vector<1x16xf32>,
        %get3A_478 = vector.shape_cast %get3A_477 : vector<1x16xf32> to vector<16xf32>
        %add3A_479 = arith.addf %get3A_478, %get3A_113 : vector<16xf32>
        %mul3A_480 = arith.mulf %add3A_479, %gather3A_474 : vector<16xf32>
        %swap3A_481 = arith.index_cast %scan3A_110 : i32 to index
        %swap3A_482 = arith.constant 16 : index
        %swap3A_483 = tpu.vector_load %arg18[%swap3A_481, %swap3A_482] {strides = array<i32>} : memref<40x128xf32, #tpu.memory_space<vmem>>, vector<1x16xf32>,
        %swap3A_484 = vector.shape_cast %swap3A_483 : vector<1x16xf32> to vector<16xf32>
        %swap3A_485 = vector.shape_cast %mul3A_480 : vector<16xf32> to vector<1x16xf32>
        tpu.vector_store %arg18[%swap3A_481, %swap3A_482], %swap3A_485 {strides = array<i32>} : memref<40x128xf32, #tpu.memory_space<vmem>>, vector<1x16xf32>,
        %broadcast_in_dim3A_486 = arith.constant 2 : i32
        %broadcast_in_dim3A_487 = vector.broadcast %broadcast_in_dim3A_486 : i32 to vector<16xi32>
        %broadcast_in_dim3A_488 = vector.shape_cast %broadcast_in_dim3A_487 : vector<16xi32> to vector<16x1xi32>
        %gather3A_489 = vector.shape_cast %broadcast_in_dim3A_488 : vector<16x1xi32> to vector<16xi32>
        %gather3A_490 = tpu.dynamic_gather %exp3A[%gather3A_489] in [0] : vector<16xf32>, vector<16xi32> -> vector<16xf32>
        %get3A_491 = arith.index_cast %scan3A_110 : i32 to index
        %get3A_492 = arith.constant 32 : index
        %get3A_493 = tpu.vector_load %arg16[%get3A_491, %get3A_492] {strides = array<i32>} : memref<40x128xf32, #tpu.memory_space<vmem>>, vector<1x16xf32>,
        %get3A_494 = vector.shape_cast %get3A_493 : vector<1x16xf32> to vector<16xf32>
        %add3A_495 = arith.addf %get3A_494, %get3A_113 : vector<16xf32>
        %mul3A_496 = arith.mulf %add3A_495, %gather3A_490 : vector<16xf32>
        %swap3A_497 = arith.index_cast %scan3A_110 : i32 to index
        %swap3A_498 = arith.constant 32 : index
        %swap3A_499 = tpu.vector_load %arg18[%swap3A_497, %swap3A_498] {strides = array<i32>} : memref<40x128xf32, #tpu.memory_space<vmem>>, vector<1x16xf32>,
        %swap3A_500 = vector.shape_cast %swap3A_499 : vector<1x16xf32> to vector<16xf32>
        %swap3A_501 = vector.shape_cast %mul3A_496 : vector<16xf32> to vector<1x16xf32>
        tpu.vector_store %arg18[%swap3A_497, %swap3A_498], %swap3A_501 {strides = array<i32>} : memref<40x128xf32, #tpu.memory_space<vmem>>, vector<1x16xf32>,
        %broadcast_in_dim3A_502 = arith.constant 3 : i32
        %broadcast_in_dim3A_503 = vector.broadcast %broadcast_in_dim3A_502 : i32 to vector<16xi32>
        %broadcast_in_dim3A_504 = vector.shape_cast %broadcast_in_dim3A_503 : vector<16xi32> to vector<16x1xi32>
        %gather3A_505 = vector.shape_cast %broadcast_in_dim3A_504 : vector<16x1xi32> to vector<16xi32>
        %gather3A_506 = tpu.dynamic_gather %exp3A[%gather3A_505] in [0] : vector<16xf32>, vector<16xi32> -> vector<16xf32>
        %get3A_507 = arith.index_cast %scan3A_110 : i32 to index
        %get3A_508 = arith.constant 48 : index
        %get3A_509 = tpu.vector_load %arg16[%get3A_507, %get3A_508] {strides = array<i32>} : memref<40x128xf32, #tpu.memory_space<vmem>>, vector<1x16xf32>,
        %get3A_510 = vector.shape_cast %get3A_509 : vector<1x16xf32> to vector<16xf32>
        %add3A_511 = arith.addf %get3A_510, %get3A_113 : vector<16xf32>
        %mul3A_512 = arith.mulf %add3A_511, %gather3A_506 : vector<16xf32>
        %swap3A_513 = arith.index_cast %scan3A_110 : i32 to index
        %swap3A_514 = arith.constant 48 : index
        %swap3A_515 = tpu.vector_load %arg18[%swap3A_513, %swap3A_514] {strides = array<i32>} : memref<40x128xf32, #tpu.memory_space<vmem>>, vector<1x16xf32>,
        %swap3A_516 = vector.shape_cast %swap3A_515 : vector<1x16xf32> to vector<16xf32>
        %swap3A_517 = vector.shape_cast %mul3A_512 : vector<16xf32> to vector<1x16xf32>
        tpu.vector_store %arg18[%swap3A_513, %swap3A_514], %swap3A_517 {strides = array<i32>} : memref<40x128xf32, #tpu.memory_space<vmem>>, vector<1x16xf32>,
        %broadcast_in_dim3A_518 = arith.constant 4 : i32
        %broadcast_in_dim3A_519 = vector.broadcast %broadcast_in_dim3A_518 : i32 to vector<16xi32>
        %broadcast_in_dim3A_520 = vector.shape_cast %broadcast_in_dim3A_519 : vector<16xi32> to vector<16x1xi32>
        %gather3A_521 = vector.shape_cast %broadcast_in_dim3A_520 : vector<16x1xi32> to vector<16xi32>
        %gather3A_522 = tpu.dynamic_gather %exp3A[%gather3A_521] in [0] : vector<16xf32>, vector<16xi32> -> vector<16xf32>
        %get3A_523 = arith.index_cast %scan3A_110 : i32 to index
        %get3A_524 = arith.constant 64 : index
        %get3A_525 = tpu.vector_load %arg16[%get3A_523, %get3A_524] {strides = array<i32>} : memref<40x128xf32, #tpu.memory_space<vmem>>, vector<1x16xf32>,
        %get3A_526 = vector.shape_cast %get3A_525 : vector<1x16xf32> to vector<16xf32>
        %add3A_527 = arith.addf %get3A_526, %get3A_113 : vector<16xf32>
        %mul3A_528 = arith.mulf %add3A_527, %gather3A_522 : vector<16xf32>
        %swap3A_529 = arith.index_cast %scan3A_110 : i32 to index
        %swap3A_530 = arith.constant 64 : index
        %swap3A_531 = tpu.vector_load %arg18[%swap3A_529, %swap3A_530] {strides = array<i32>} : memref<40x128xf32, #tpu.memory_space<vmem>>, vector<1x16xf32>,
        %swap3A_532 = vector.shape_cast %swap3A_531 : vector<1x16xf32> to vector<16xf32>
        %swap3A_533 = vector.shape_cast %mul3A_528 : vector<16xf32> to vector<1x16xf32>
        tpu.vector_store %arg18[%swap3A_529, %swap3A_530], %swap3A_533 {strides = array<i32>} : memref<40x128xf32, #tpu.memory_space<vmem>>, vector<1x16xf32>,
        %broadcast_in_dim3A_534 = arith.constant 5 : i32
        %broadcast_in_dim3A_535 = vector.broadcast %broadcast_in_dim3A_534 : i32 to vector<16xi32>
        %broadcast_in_dim3A_536 = vector.shape_cast %broadcast_in_dim3A_535 : vector<16xi32> to vector<16x1xi32>
        %gather3A_537 = vector.shape_cast %broadcast_in_dim3A_536 : vector<16x1xi32> to vector<16xi32>
        %gather3A_538 = tpu.dynamic_gather %exp3A[%gather3A_537] in [0] : vector<16xf32>, vector<16xi32> -> vector<16xf32>
        %get3A_539 = arith.index_cast %scan3A_110 : i32 to index
        %get3A_540 = arith.constant 80 : index
        %get3A_541 = tpu.vector_load %arg16[%get3A_539, %get3A_540] {strides = array<i32>} : memref<40x128xf32, #tpu.memory_space<vmem>>, vector<1x16xf32>,
        %get3A_542 = vector.shape_cast %get3A_541 : vector<1x16xf32> to vector<16xf32>
        %add3A_543 = arith.addf %get3A_542, %get3A_113 : vector<16xf32>
        %mul3A_544 = arith.mulf %add3A_543, %gather3A_538 : vector<16xf32>
        %swap3A_545 = arith.index_cast %scan3A_110 : i32 to index
        %swap3A_546 = arith.constant 80 : index
        %swap3A_547 = tpu.vector_load %arg18[%swap3A_545, %swap3A_546] {strides = array<i32>} : memref<40x128xf32, #tpu.memory_space<vmem>>, vector<1x16xf32>,
        %swap3A_548 = vector.shape_cast %swap3A_547 : vector<1x16xf32> to vector<16xf32>
        %swap3A_549 = vector.shape_cast %mul3A_544 : vector<16xf32> to vector<1x16xf32>
        tpu.vector_store %arg18[%swap3A_545, %swap3A_546], %swap3A_549 {strides = array<i32>} : memref<40x128xf32, #tpu.memory_space<vmem>>, vector<1x16xf32>,
        %broadcast_in_dim3A_550 = arith.constant 6 : i32
        %broadcast_in_dim3A_551 = vector.broadcast %broadcast_in_dim3A_550 : i32 to vector<16xi32>
        %broadcast_in_dim3A_552 = vector.shape_cast %broadcast_in_dim3A_551 : vector<16xi32> to vector<16x1xi32>
        %gather3A_553 = vector.shape_cast %broadcast_in_dim3A_552 : vector<16x1xi32> to vector<16xi32>
        %gather3A_554 = tpu.dynamic_gather %exp3A[%gather3A_553] in [0] : vector<16xf32>, vector<16xi32> -> vector<16xf32>
        %get3A_555 = arith.index_cast %scan3A_110 : i32 to index
        %get3A_556 = arith.constant 96 : index
        %get3A_557 = tpu.vector_load %arg16[%get3A_555, %get3A_556] {strides = array<i32>} : memref<40x128xf32, #tpu.memory_space<vmem>>, vector<1x16xf32>,
        %get3A_558 = vector.shape_cast %get3A_557 : vector<1x16xf32> to vector<16xf32>
        %add3A_559 = arith.addf %get3A_558, %get3A_113 : vector<16xf32>
        %mul3A_560 = arith.mulf %add3A_559, %gather3A_554 : vector<16xf32>
        %swap3A_561 = arith.index_cast %scan3A_110 : i32 to index
        %swap3A_562 = arith.constant 96 : index
        %swap3A_563 = tpu.vector_load %arg18[%swap3A_561, %swap3A_562] {strides = array<i32>} : memref<40x128xf32, #tpu.memory_space<vmem>>, vector<1x16xf32>,
        %swap3A_564 = vector.shape_cast %swap3A_563 : vector<1x16xf32> to vector<16xf32>
        %swap3A_565 = vector.shape_cast %mul3A_560 : vector<16xf32> to vector<1x16xf32>
        tpu.vector_store %arg18[%swap3A_561, %swap3A_562], %swap3A_565 {strides = array<i32>} : memref<40x128xf32, #tpu.memory_space<vmem>>, vector<1x16xf32>,
        %broadcast_in_dim3A_566 = arith.constant 7 : i32
        %broadcast_in_dim3A_567 = vector.broadcast %broadcast_in_dim3A_566 : i32 to vector<16xi32>
        %broadcast_in_dim3A_568 = vector.shape_cast %broadcast_in_dim3A_567 : vector<16xi32> to vector<16x1xi32>
        %gather3A_569 = vector.shape_cast %broadcast_in_dim3A_568 : vector<16x1xi32> to vector<16xi32>
        %gather3A_570 = tpu.dynamic_gather %exp3A[%gather3A_569] in [0] : vector<16xf32>, vector<16xi32> -> vector<16xf32>
        %get3A_571 = arith.index_cast %scan3A_110 : i32 to index
        %get3A_572 = arith.constant 112 : index
        %get3A_573 = tpu.vector_load %arg16[%get3A_571, %get3A_572] {strides = array<i32>} : memref<40x128xf32, #tpu.memory_space<vmem>>, vector<1x16xf32>,
        %get3A_574 = vector.shape_cast %get3A_573 : vector<1x16xf32> to vector<16xf32>
        %add3A_575 = arith.addf %get3A_574, %get3A_113 : vector<16xf32>
        %mul3A_576 = arith.mulf %add3A_575, %gather3A_570 : vector<16xf32>
        %swap3A_577 = arith.index_cast %scan3A_110 : i32 to index
        %swap3A_578 = arith.constant 112 : index
        %swap3A_579 = tpu.vector_load %arg18[%swap3A_577, %swap3A_578] {strides = array<i32>} : memref<40x128xf32, #tpu.memory_space<vmem>>, vector<1x16xf32>,
        %swap3A_580 = vector.shape_cast %swap3A_579 : vector<1x16xf32> to vector<16xf32>
        %swap3A_581 = vector.shape_cast %mul3A_576 : vector<16xf32> to vector<1x16xf32>
        tpu.vector_store %arg18[%swap3A_577, %swap3A_578], %swap3A_581 {strides = array<i32>} : memref<40x128xf32, #tpu.memory_space<vmem>>, vector<1x16xf32>,
        %jit3A = arith.constant 16 : i32
        %div3A = arith.divsi %scan3A_110, %jit3A : i32
        %sign3A = arith.constant 0 : i32
        %sign3A_582 = arith.cmpi sgt, %scan3A_110, %sign3A : i32
        %sign3A_583 = arith.extui %sign3A_582 : i1 to i32
        %sign3A_584 = arith.constant 0 : i32
        %sign3A_585 = arith.cmpi slt, %scan3A_110, %sign3A_584 : i32
        %sign3A_586 = arith.extui %sign3A_585 : i1 to i32
        %sign3A_587 = arith.subi %sign3A_583, %sign3A_586 : i32
        %sign3A_588 = arith.constant 0 : i32
        %sign3A_589 = arith.cmpi sgt, %jit3A, %sign3A_588 : i32
        %sign3A_590 = arith.extui %sign3A_589 : i1 to i32
        %sign3A_591 = arith.constant 0 : i32
        %sign3A_592 = arith.cmpi slt, %jit3A, %sign3A_591 : i32
        %sign3A_593 = arith.extui %sign3A_592 : i1 to i32
        %sign3A_594 = arith.subi %sign3A_590, %sign3A_593 : i32
        %ne3A = arith.cmpi ne, %sign3A_587, %sign3A_594 : i32
        %rem3A = arith.remsi %scan3A_110, %jit3A : i32
        %ne3A_595 = arith.constant 0 : i32
        %ne3A_596 = arith.cmpi ne, %rem3A, %ne3A_595 : i32
        %and3A = arith.andi %ne3A, %ne3A_596 : i1
        %sub3A = arith.constant 1 : i32
        %sub3A_597 = arith.subi %div3A, %sub3A : i32
        %select_n3A_598 = arith.select %and3A, %sub3A_597, %div3A : i32
        %mul3A_599 = arith.constant 16 : i32
        %mul3A_600 = arith.muli %select_n3A_598, %mul3A_599 : i32
        %get3A_601 = arith.index_cast %mul3A_600 : i32 to index
        %get3A_602 = tpu.vector_load %arg12[%get3A_601] {strides = array<i32>} : memref<56xi32, #tpu.memory_space<vmem>>, vector<16xi32>,
        %get3A_603 = vector.shape_cast %get3A_602 : vector<16xi32> to vector<16xi32>
        %and3A_604 = arith.constant 7 : i32
        %and3A_605 = vector.broadcast %and3A_604 : i32 to vector<16xi32>
        %and3A_606 = arith.andi %get3A_603, %and3A_605 : vector<16xi32>
        %sub3A_607 = arith.subi %scan3A_110, %mul3A_600 : i32
        %broadcast_in_dim3A_608 = vector.broadcast %sub3A_607 : i32 to vector<16xi32>
        %broadcast_in_dim3A_609 = vector.shape_cast %broadcast_in_dim3A_608 : vector<16xi32> to vector<16x1xi32>
        %gather3A_610 = vector.shape_cast %broadcast_in_dim3A_609 : vector<16x1xi32> to vector<16xi32>
        %gather3A_611 = tpu.dynamic_gather %and3A_606[%gather3A_610] in [0] : vector<16xi32>, vector<16xi32> -> vector<16xi32>
        %convert_element_type3A = arith.sitofp %gather3A_611 : vector<16xi32> to vector<16xf32>
        %sub3A_612 = arith.constant 0.000000e+00 : f32
        %sub3A_613 = vector.broadcast %sub3A_612 : f32 to vector<16xf32>
        %sub3A_614 = arith.subf %convert_element_type3A, %sub3A_613 : vector<16xf32>
        %mul3A_615 = arith.mulf %sub3A_614, %sub3A_614 : vector<16xf32>
        %sub3A_616 = arith.constant 1.000000e+00 : f32
        %sub3A_617 = vector.broadcast %sub3A_616 : f32 to vector<16xf32>
        %sub3A_618 = arith.subf %sub3A_617, %mul3A_615 : vector<16xf32>
        %max3A_619 = arith.constant 0.000000e+00 : f32
        %max3A_620 = vector.broadcast %max3A_619 : f32 to vector<16xf32>
        %max3A_621 = arith.maximumf %sub3A_618, %max3A_620 : vector<16xf32>
        %mul3A_622 = arith.mulf %exp3A, %max3A_621 : vector<16xf32>
        %swap3A_623 = arith.index_cast %scan3A_110 : i32 to index
        %swap3A_624 = arith.constant 0 : index
        %swap3A_625 = tpu.vector_load %arg19[%swap3A_623, %swap3A_624] {strides = array<i32>} : memref<40x128xf32, #tpu.memory_space<vmem>>, vector<1x16xf32>,
        %swap3A_626 = vector.shape_cast %swap3A_625 : vector<1x16xf32> to vector<16xf32>
        %swap3A_627 = vector.shape_cast %mul3A_622 : vector<16xf32> to vector<1x16xf32>
        tpu.vector_store %arg19[%swap3A_623, %swap3A_624], %swap3A_627 {strides = array<i32>} : memref<40x128xf32, #tpu.memory_space<vmem>>, vector<1x16xf32>,
        %sub3A_628 = arith.constant 1.000000e+00 : f32
        %sub3A_629 = vector.broadcast %sub3A_628 : f32 to vector<16xf32>
        %sub3A_630 = arith.subf %convert_element_type3A, %sub3A_629 : vector<16xf32>
        %mul3A_631 = arith.mulf %sub3A_630, %sub3A_630 : vector<16xf32>
        %sub3A_632 = arith.constant 1.000000e+00 : f32
        %sub3A_633 = vector.broadcast %sub3A_632 : f32 to vector<16xf32>
        %sub3A_634 = arith.subf %sub3A_633, %mul3A_631 : vector<16xf32>
        %max3A_635 = arith.constant 0.000000e+00 : f32
        %max3A_636 = vector.broadcast %max3A_635 : f32 to vector<16xf32>
        %max3A_637 = arith.maximumf %sub3A_634, %max3A_636 : vector<16xf32>
        %mul3A_638 = arith.mulf %exp3A, %max3A_637 : vector<16xf32>
        %swap3A_639 = arith.index_cast %scan3A_110 : i32 to index
        %swap3A_640 = arith.constant 16 : index
        %swap3A_641 = tpu.vector_load %arg19[%swap3A_639, %swap3A_640] {strides = array<i32>} : memref<40x128xf32, #tpu.memory_space<vmem>>, vector<1x16xf32>,
        %swap3A_642 = vector.shape_cast %swap3A_641 : vector<1x16xf32> to vector<16xf32>
        %swap3A_643 = vector.shape_cast %mul3A_638 : vector<16xf32> to vector<1x16xf32>
        tpu.vector_store %arg19[%swap3A_639, %swap3A_640], %swap3A_643 {strides = array<i32>} : memref<40x128xf32, #tpu.memory_space<vmem>>, vector<1x16xf32>,
        %sub3A_644 = arith.constant 2.000000e+00 : f32
        %sub3A_645 = vector.broadcast %sub3A_644 : f32 to vector<16xf32>
        %sub3A_646 = arith.subf %convert_element_type3A, %sub3A_645 : vector<16xf32>
        %mul3A_647 = arith.mulf %sub3A_646, %sub3A_646 : vector<16xf32>
        %sub3A_648 = arith.constant 1.000000e+00 : f32
        %sub3A_649 = vector.broadcast %sub3A_648 : f32 to vector<16xf32>
        %sub3A_650 = arith.subf %sub3A_649, %mul3A_647 : vector<16xf32>
        %max3A_651 = arith.constant 0.000000e+00 : f32
        %max3A_652 = vector.broadcast %max3A_651 : f32 to vector<16xf32>
        %max3A_653 = arith.maximumf %sub3A_650, %max3A_652 : vector<16xf32>
        %mul3A_654 = arith.mulf %exp3A, %max3A_653 : vector<16xf32>
        %swap3A_655 = arith.index_cast %scan3A_110 : i32 to index
        %swap3A_656 = arith.constant 32 : index
        %swap3A_657 = tpu.vector_load %arg19[%swap3A_655, %swap3A_656] {strides = array<i32>} : memref<40x128xf32, #tpu.memory_space<vmem>>, vector<1x16xf32>,
        %swap3A_658 = vector.shape_cast %swap3A_657 : vector<1x16xf32> to vector<16xf32>
        %swap3A_659 = vector.shape_cast %mul3A_654 : vector<16xf32> to vector<1x16xf32>
        tpu.vector_store %arg19[%swap3A_655, %swap3A_656], %swap3A_659 {strides = array<i32>} : memref<40x128xf32, #tpu.memory_space<vmem>>, vector<1x16xf32>,
        %sub3A_660 = arith.constant 3.000000e+00 : f32
        %sub3A_661 = vector.broadcast %sub3A_660 : f32 to vector<16xf32>
        %sub3A_662 = arith.subf %convert_element_type3A, %sub3A_661 : vector<16xf32>
        %mul3A_663 = arith.mulf %sub3A_662, %sub3A_662 : vector<16xf32>
        %sub3A_664 = arith.constant 1.000000e+00 : f32
        %sub3A_665 = vector.broadcast %sub3A_664 : f32 to vector<16xf32>
        %sub3A_666 = arith.subf %sub3A_665, %mul3A_663 : vector<16xf32>
        %max3A_667 = arith.constant 0.000000e+00 : f32
        %max3A_668 = vector.broadcast %max3A_667 : f32 to vector<16xf32>
        %max3A_669 = arith.maximumf %sub3A_666, %max3A_668 : vector<16xf32>
        %mul3A_670 = arith.mulf %exp3A, %max3A_669 : vector<16xf32>
        %swap3A_671 = arith.index_cast %scan3A_110 : i32 to index
        %swap3A_672 = arith.constant 48 : index
        %swap3A_673 = tpu.vector_load %arg19[%swap3A_671, %swap3A_672] {strides = array<i32>} : memref<40x128xf32, #tpu.memory_space<vmem>>, vector<1x16xf32>,
        %swap3A_674 = vector.shape_cast %swap3A_673 : vector<1x16xf32> to vector<16xf32>
        %swap3A_675 = vector.shape_cast %mul3A_670 : vector<16xf32> to vector<1x16xf32>
        tpu.vector_store %arg19[%swap3A_671, %swap3A_672], %swap3A_675 {strides = array<i32>} : memref<40x128xf32, #tpu.memory_space<vmem>>, vector<1x16xf32>,
        %sub3A_676 = arith.constant 4.000000e+00 : f32
        %sub3A_677 = vector.broadcast %sub3A_676 : f32 to vector<16xf32>
        %sub3A_678 = arith.subf %convert_element_type3A, %sub3A_677 : vector<16xf32>
        %mul3A_679 = arith.mulf %sub3A_678, %sub3A_678 : vector<16xf32>
        %sub3A_680 = arith.constant 1.000000e+00 : f32
        %sub3A_681 = vector.broadcast %sub3A_680 : f32 to vector<16xf32>
        %sub3A_682 = arith.subf %sub3A_681, %mul3A_679 : vector<16xf32>
        %max3A_683 = arith.constant 0.000000e+00 : f32
        %max3A_684 = vector.broadcast %max3A_683 : f32 to vector<16xf32>
        %max3A_685 = arith.maximumf %sub3A_682, %max3A_684 : vector<16xf32>
        %mul3A_686 = arith.mulf %exp3A, %max3A_685 : vector<16xf32>
        %swap3A_687 = arith.index_cast %scan3A_110 : i32 to index
        %swap3A_688 = arith.constant 64 : index
        %swap3A_689 = tpu.vector_load %arg19[%swap3A_687, %swap3A_688] {strides = array<i32>} : memref<40x128xf32, #tpu.memory_space<vmem>>, vector<1x16xf32>,
        %swap3A_690 = vector.shape_cast %swap3A_689 : vector<1x16xf32> to vector<16xf32>
        %swap3A_691 = vector.shape_cast %mul3A_686 : vector<16xf32> to vector<1x16xf32>
        tpu.vector_store %arg19[%swap3A_687, %swap3A_688], %swap3A_691 {strides = array<i32>} : memref<40x128xf32, #tpu.memory_space<vmem>>, vector<1x16xf32>,
        %sub3A_692 = arith.constant 5.000000e+00 : f32
        %sub3A_693 = vector.broadcast %sub3A_692 : f32 to vector<16xf32>
        %sub3A_694 = arith.subf %convert_element_type3A, %sub3A_693 : vector<16xf32>
        %mul3A_695 = arith.mulf %sub3A_694, %sub3A_694 : vector<16xf32>
        %sub3A_696 = arith.constant 1.000000e+00 : f32
        %sub3A_697 = vector.broadcast %sub3A_696 : f32 to vector<16xf32>
        %sub3A_698 = arith.subf %sub3A_697, %mul3A_695 : vector<16xf32>
        %max3A_699 = arith.constant 0.000000e+00 : f32
        %max3A_700 = vector.broadcast %max3A_699 : f32 to vector<16xf32>
        %max3A_701 = arith.maximumf %sub3A_698, %max3A_700 : vector<16xf32>
        %mul3A_702 = arith.mulf %exp3A, %max3A_701 : vector<16xf32>
        %swap3A_703 = arith.index_cast %scan3A_110 : i32 to index
        %swap3A_704 = arith.constant 80 : index
        %swap3A_705 = tpu.vector_load %arg19[%swap3A_703, %swap3A_704] {strides = array<i32>} : memref<40x128xf32, #tpu.memory_space<vmem>>, vector<1x16xf32>,
        %swap3A_706 = vector.shape_cast %swap3A_705 : vector<1x16xf32> to vector<16xf32>
        %swap3A_707 = vector.shape_cast %mul3A_702 : vector<16xf32> to vector<1x16xf32>
        tpu.vector_store %arg19[%swap3A_703, %swap3A_704], %swap3A_707 {strides = array<i32>} : memref<40x128xf32, #tpu.memory_space<vmem>>, vector<1x16xf32>,
        %sub3A_708 = arith.constant 6.000000e+00 : f32
        %sub3A_709 = vector.broadcast %sub3A_708 : f32 to vector<16xf32>
        %sub3A_710 = arith.subf %convert_element_type3A, %sub3A_709 : vector<16xf32>
        %mul3A_711 = arith.mulf %sub3A_710, %sub3A_710 : vector<16xf32>
        %sub3A_712 = arith.constant 1.000000e+00 : f32
        %sub3A_713 = vector.broadcast %sub3A_712 : f32 to vector<16xf32>
        %sub3A_714 = arith.subf %sub3A_713, %mul3A_711 : vector<16xf32>
        %max3A_715 = arith.constant 0.000000e+00 : f32
        %max3A_716 = vector.broadcast %max3A_715 : f32 to vector<16xf32>
        %max3A_717 = arith.maximumf %sub3A_714, %max3A_716 : vector<16xf32>
        %mul3A_718 = arith.mulf %exp3A, %max3A_717 : vector<16xf32>
        %swap3A_719 = arith.index_cast %scan3A_110 : i32 to index
        %swap3A_720 = arith.constant 96 : index
        %swap3A_721 = tpu.vector_load %arg19[%swap3A_719, %swap3A_720] {strides = array<i32>} : memref<40x128xf32, #tpu.memory_space<vmem>>, vector<1x16xf32>,
        %swap3A_722 = vector.shape_cast %swap3A_721 : vector<1x16xf32> to vector<16xf32>
        %swap3A_723 = vector.shape_cast %mul3A_718 : vector<16xf32> to vector<1x16xf32>
        tpu.vector_store %arg19[%swap3A_719, %swap3A_720], %swap3A_723 {strides = array<i32>} : memref<40x128xf32, #tpu.memory_space<vmem>>, vector<1x16xf32>,
        %sub3A_724 = arith.constant 7.000000e+00 : f32
        %sub3A_725 = vector.broadcast %sub3A_724 : f32 to vector<16xf32>
        %sub3A_726 = arith.subf %convert_element_type3A, %sub3A_725 : vector<16xf32>
        %mul3A_727 = arith.mulf %sub3A_726, %sub3A_726 : vector<16xf32>
        %sub3A_728 = arith.constant 1.000000e+00 : f32
        %sub3A_729 = vector.broadcast %sub3A_728 : f32 to vector<16xf32>
        %sub3A_730 = arith.subf %sub3A_729, %mul3A_727 : vector<16xf32>
        %max3A_731 = arith.constant 0.000000e+00 : f32
        %max3A_732 = vector.broadcast %max3A_731 : f32 to vector<16xf32>
        %max3A_733 = arith.maximumf %sub3A_730, %max3A_732 : vector<16xf32>
        %mul3A_734 = arith.mulf %exp3A, %max3A_733 : vector<16xf32>
        %swap3A_735 = arith.index_cast %scan3A_110 : i32 to index
        %swap3A_736 = arith.constant 112 : index
        %swap3A_737 = tpu.vector_load %arg19[%swap3A_735, %swap3A_736] {strides = array<i32>} : memref<40x128xf32, #tpu.memory_space<vmem>>, vector<1x16xf32>,
        %swap3A_738 = vector.shape_cast %swap3A_737 : vector<1x16xf32> to vector<16xf32>
        %swap3A_739 = vector.shape_cast %mul3A_734 : vector<16xf32> to vector<1x16xf32>
        tpu.vector_store %arg19[%swap3A_735, %swap3A_736], %swap3A_739 {strides = array<i32>} : memref<40x128xf32, #tpu.memory_space<vmem>>, vector<1x16xf32>,
      }
      %scan3A_97 = arith.constant 40 : i32
      %dma_start3A_98 = arith.constant 0 : i32
      %dma_start3A_99 = arith.constant 0 : i32
      %dma_start3A_100 = tpu.memref_slice %arg22[%dma_start3A_98, %dma_start3A_99] : memref<10000x128xf32, #tpu.memory_space<vmem_shared>> -> memref<10000x128xf32, #tpu.memory_space<vmem_shared>>
      tpu.enqueue_indirect_dma source(%arg18 : memref<40x128xf32, #tpu.memory_space<vmem>>) target(%dma_start3A_100 : memref<10000x128xf32, #tpu.memory_space<vmem_shared>>) offsets(%arg13 : memref<40xi32, #tpu.memory_space<vmem>>) semaphore(%arg24 : memref<!tpu.dma_semaphore, #tpu.memory_space<semaphore_mem>>) {add = true}
      %dma_wait3A_101 = arith.constant 0 : i32
      %dma_wait3A_102 = arith.constant 0 : i32
      %dma_wait3A_103 = tpu.memref_slice %arg22[%dma_wait3A_101, %dma_wait3A_102] : memref<10000x128xf32, #tpu.memory_space<vmem_shared>> -> memref<10000x128xf32, #tpu.memory_space<vmem_shared>>
      tpu.wait_indirect_dma semaphore(%arg24 : memref<!tpu.dma_semaphore, #tpu.memory_space<semaphore_mem>>) src(%arg18 : memref<40x128xf32, #tpu.memory_space<vmem>>) dst(%dma_wait3A_103 : memref<10000x128xf32, #tpu.memory_space<vmem_shared>>)
      %dma_start3A_104 = arith.constant 0 : i32
      %dma_start3A_105 = arith.constant 0 : i32
      %dma_start3A_106 = tpu.memref_slice %arg23[%dma_start3A_104, %dma_start3A_105] : memref<1264x128xf32, #tpu.memory_space<vmem_shared>> -> memref<1264x128xf32, #tpu.memory_space<vmem_shared>>
      tpu.enqueue_indirect_dma source(%arg19 : memref<40x128xf32, #tpu.memory_space<vmem>>) target(%dma_start3A_106 : memref<1264x128xf32, #tpu.memory_space<vmem_shared>>) offsets(%arg20 : memref<40xi32, #tpu.memory_space<vmem>>) semaphore(%arg25 : memref<!tpu.dma_semaphore, #tpu.memory_space<semaphore_mem>>) {add = true}
      %dma_wait3A_107 = arith.constant 0 : i32
      %dma_wait3A_108 = arith.constant 0 : i32
      %dma_wait3A_109 = tpu.memref_slice %arg23[%dma_wait3A_107, %dma_wait3A_108] : memref<1264x128xf32, #tpu.memory_space<vmem_shared>> -> memref<1264x128xf32, #tpu.memory_space<vmem_shared>>
      tpu.wait_indirect_dma semaphore(%arg25 : memref<!tpu.dma_semaphore, #tpu.memory_space<semaphore_mem>>) src(%arg19 : memref<40x128xf32, #tpu.memory_space<vmem>>) dst(%dma_wait3A_109 : memref<1264x128xf32, #tpu.memory_space<vmem_shared>>)
    }
    %scan3A_24 = arith.constant 250 : i32
    %barrier3A_25 = arith.constant 0 : index
    tpu.barrier barrier_id(%barrier3A_25)
    %scan3A_26 = arith.constant 0 : i32
    %scan3A_27 = arith.constant 0 : i32
    %scan3A_28 = arith.constant 40 : i32
    %scan3A_29 = arith.addi %scan3A_27, %scan3A_28 : i32
    %scan3A_30 = arith.constant 1 : i32
    scf.for %scan3A_38 = %scan3A_27 to %scan3A_29 step %scan3A_30  : i32 {
      %mul3A_39 = arith.constant 16 : i32
      %mul3A_40 = arith.muli %scan3A_38, %mul3A_39 : i32
      %add3A_41 = arith.addi %arg1, %mul3A_40 : i32
      %min3A = arith.constant 624 : i32
      %min3A_42 = arith.minsi %add3A_41, %min3A : i32
      %mul3A_43 = arith.constant 16 : i32
      %mul3A_44 = arith.muli %min3A_42, %mul3A_43 : i32
      %add3A_45 = vector.broadcast %mul3A_44 : i32 to vector<16xi32>
      %add3A_46 = arith.addi %add3A_45, %iota3A : vector<16xi32>
      %swap3A = arith.constant 0 : index
      %swap3A_47 = tpu.vector_load %arg21[%swap3A] {strides = array<i32>} : memref<16xi32, #tpu.memory_space<vmem>>, vector<16xi32>,
      %swap3A_48 = vector.shape_cast %swap3A_47 : vector<16xi32> to vector<16xi32>
      %swap3A_49 = vector.shape_cast %add3A_46 : vector<16xi32> to vector<16xi32>
      tpu.vector_store %arg21[%swap3A], %swap3A_49 {strides = array<i32>} : memref<16xi32, #tpu.memory_space<vmem>>, vector<16xi32>,
      %dma_start3A = arith.constant 0 : i32
      %dma_start3A_50 = arith.constant 0 : i32
      %dma_start3A_51 = tpu.memref_slice %arg18[%dma_start3A, %dma_start3A_50] : memref<40x128xf32, #tpu.memory_space<vmem>> -> memref<16x128xf32, #tpu.memory_space<vmem>>
      %dma_start3A_52 = arith.constant 0 : i32
      %dma_start3A_53 = arith.constant 0 : i32
      %dma_start3A_54 = tpu.memref_slice %arg22[%dma_start3A_52, %dma_start3A_53] : memref<10000x128xf32, #tpu.memory_space<vmem_shared>> -> memref<10000x128xf32, #tpu.memory_space<vmem_shared>>
      tpu.enqueue_indirect_dma source(%dma_start3A_54 : memref<10000x128xf32, #tpu.memory_space<vmem_shared>>) target(%dma_start3A_51 : memref<16x128xf32, #tpu.memory_space<vmem>>) offsets(%arg21 : memref<16xi32, #tpu.memory_space<vmem>>) semaphore(%arg24 : memref<!tpu.dma_semaphore, #tpu.memory_space<semaphore_mem>>)
      %dma_wait3A = arith.constant 0 : i32
      %dma_wait3A_55 = arith.constant 0 : i32
      %dma_wait3A_56 = tpu.memref_slice %arg18[%dma_wait3A, %dma_wait3A_55] : memref<40x128xf32, #tpu.memory_space<vmem>> -> memref<16x128xf32, #tpu.memory_space<vmem>>
      %dma_wait3A_57 = arith.constant 0 : i32
      %dma_wait3A_58 = arith.constant 0 : i32
      %dma_wait3A_59 = tpu.memref_slice %arg22[%dma_wait3A_57, %dma_wait3A_58] : memref<10000x128xf32, #tpu.memory_space<vmem_shared>> -> memref<10000x128xf32, #tpu.memory_space<vmem_shared>>
      tpu.wait_indirect_dma semaphore(%arg24 : memref<!tpu.dma_semaphore, #tpu.memory_space<semaphore_mem>>) src(%dma_wait3A_59 : memref<10000x128xf32, #tpu.memory_space<vmem_shared>>) dst(%dma_wait3A_56 : memref<16x128xf32, #tpu.memory_space<vmem>>)
      %dma_start3A_60 = arith.constant 0 : i32
      %dma_start3A_61 = arith.constant 0 : i32
      %dma_start3A_62 = tpu.memref_slice %arg18[%dma_start3A_60, %dma_start3A_61] : memref<40x128xf32, #tpu.memory_space<vmem>> -> memref<16x128xf32, #tpu.memory_space<vmem>>
      %dma_start3A_63 = arith.constant 0 : i32
      %dma_start3A_64 = tpu.memref_slice %arg9[%arg0, %mul3A_44, %dma_start3A_63] : memref<2x10000x128xf32, #tpu.memory_space<hbm>> -> memref<1x16x128xf32, #tpu.memory_space<hbm>>
      %dma_start3A_65 = tpu.memref_squeeze %dma_start3A_64 : memref<1x16x128xf32, #tpu.memory_space<hbm>> -> memref<16x128xf32, #tpu.memory_space<hbm>>
      %dma_start3A_66 = arith.constant 0 : i32
      %dma_start3A_67 = tpu.memref_slice %arg9[%arg0, %mul3A_44, %dma_start3A_66] : memref<2x10000x128xf32, #tpu.memory_space<hbm>> -> memref<1x16x128xf32, #tpu.memory_space<hbm>>
      %dma_start3A_68 = tpu.memref_squeeze %dma_start3A_67 : memref<1x16x128xf32, #tpu.memory_space<hbm>> -> memref<16x128xf32, #tpu.memory_space<hbm>>
      %dma_start3A_69 = arith.constant 0 : i32
      %dma_start3A_70 = arith.constant 0 : i32
      %dma_start3A_71 = tpu.memref_slice %arg18[%dma_start3A_69, %dma_start3A_70] : memref<40x128xf32, #tpu.memory_space<vmem>> -> memref<16x128xf32, #tpu.memory_space<vmem>>
      tpu.enqueue_dma source(%dma_start3A_71 : memref<16x128xf32, #tpu.memory_space<vmem>>) target(%dma_start3A_68 : memref<16x128xf32, #tpu.memory_space<hbm>>) target_semaphore(%arg25 : memref<!tpu.dma_semaphore, #tpu.memory_space<semaphore_mem>>)
      %dma_wait3A_72 = arith.constant 0 : i32
      %dma_wait3A_73 = arith.constant 0 : i32
      %dma_wait3A_74 = tpu.memref_slice %arg18[%dma_wait3A_72, %dma_wait3A_73] : memref<40x128xf32, #tpu.memory_space<vmem>> -> memref<16x128xf32, #tpu.memory_space<vmem>>
      %dma_wait3A_75 = arith.constant 0 : i32
      %dma_wait3A_76 = tpu.memref_slice %arg9[%arg0, %mul3A_44, %dma_wait3A_75] : memref<2x10000x128xf32, #tpu.memory_space<hbm>> -> memref<1x16x128xf32, #tpu.memory_space<hbm>>
      %dma_wait3A_77 = tpu.memref_squeeze %dma_wait3A_76 : memref<1x16x128xf32, #tpu.memory_space<hbm>> -> memref<16x128xf32, #tpu.memory_space<hbm>>
      %dma_wait3A_78 = arith.constant 0 : i32
      %dma_wait3A_79 = tpu.memref_slice %arg9[%arg0, %mul3A_44, %dma_wait3A_78] : memref<2x10000x128xf32, #tpu.memory_space<hbm>> -> memref<1x16x128xf32, #tpu.memory_space<hbm>>
      %dma_wait3A_80 = tpu.memref_squeeze %dma_wait3A_79 : memref<1x16x128xf32, #tpu.memory_space<hbm>> -> memref<16x128xf32, #tpu.memory_space<hbm>>
      %dma_wait3A_81 = arith.constant 0 : i32
      %dma_wait3A_82 = arith.constant 0 : i32
      %dma_wait3A_83 = tpu.memref_slice %arg18[%dma_wait3A_81, %dma_wait3A_82] : memref<40x128xf32, #tpu.memory_space<vmem>> -> memref<16x128xf32, #tpu.memory_space<vmem>>
      tpu.wait_dma2 semaphore(%arg25 : memref<!tpu.dma_semaphore, #tpu.memory_space<semaphore_mem>>) src(%dma_wait3A_83 : memref<16x128xf32, #tpu.memory_space<vmem>>) dst(%dma_wait3A_80 : memref<16x128xf32, #tpu.memory_space<hbm>>)
    }
    %scan3A_31 = arith.constant 40 : i32
    %scan3A_32 = arith.constant 0 : i32
    %scan3A_33 = arith.constant 0 : i32
    %scan3A_34 = arith.constant 5 : i32
    %scan3A_35 = arith.addi %scan3A_33, %scan3A_34 : i32
    %scan3A_36 = arith.constant 1 : i32
    scf.for %scan3A_38 = %scan3A_33 to %scan3A_35 step %scan3A_36  : i32 {
      %mul3A_39 = arith.constant 16 : i32
      %mul3A_40 = arith.muli %scan3A_38, %mul3A_39 : i32
      %add3A_41 = arith.addi %arg1, %mul3A_40 : i32
      %min3A = arith.constant 78 : i32
      %min3A_42 = arith.minsi %add3A_41, %min3A : i32
      %mul3A_43 = arith.constant 16 : i32
      %mul3A_44 = arith.muli %min3A_42, %mul3A_43 : i32
      %add3A_45 = vector.broadcast %mul3A_44 : i32 to vector<16xi32>
      %add3A_46 = arith.addi %add3A_45, %iota3A : vector<16xi32>
      %swap3A = arith.constant 0 : index
      %swap3A_47 = tpu.vector_load %arg21[%swap3A] {strides = array<i32>} : memref<16xi32, #tpu.memory_space<vmem>>, vector<16xi32>,
      %swap3A_48 = vector.shape_cast %swap3A_47 : vector<16xi32> to vector<16xi32>
      %swap3A_49 = vector.shape_cast %add3A_46 : vector<16xi32> to vector<16xi32>
      tpu.vector_store %arg21[%swap3A], %swap3A_49 {strides = array<i32>} : memref<16xi32, #tpu.memory_space<vmem>>, vector<16xi32>,
      %dma_start3A = arith.constant 0 : i32
      %dma_start3A_50 = arith.constant 0 : i32
      %dma_start3A_51 = tpu.memref_slice %arg19[%dma_start3A, %dma_start3A_50] : memref<40x128xf32, #tpu.memory_space<vmem>> -> memref<16x128xf32, #tpu.memory_space<vmem>>
      %dma_start3A_52 = arith.constant 0 : i32
      %dma_start3A_53 = arith.constant 0 : i32
      %dma_start3A_54 = tpu.memref_slice %arg23[%dma_start3A_52, %dma_start3A_53] : memref<1264x128xf32, #tpu.memory_space<vmem_shared>> -> memref<1264x128xf32, #tpu.memory_space<vmem_shared>>
      tpu.enqueue_indirect_dma source(%dma_start3A_54 : memref<1264x128xf32, #tpu.memory_space<vmem_shared>>) target(%dma_start3A_51 : memref<16x128xf32, #tpu.memory_space<vmem>>) offsets(%arg21 : memref<16xi32, #tpu.memory_space<vmem>>) semaphore(%arg26 : memref<!tpu.dma_semaphore, #tpu.memory_space<semaphore_mem>>)
      %dma_wait3A = arith.constant 0 : i32
      %dma_wait3A_55 = arith.constant 0 : i32
      %dma_wait3A_56 = tpu.memref_slice %arg19[%dma_wait3A, %dma_wait3A_55] : memref<40x128xf32, #tpu.memory_space<vmem>> -> memref<16x128xf32, #tpu.memory_space<vmem>>
      %dma_wait3A_57 = arith.constant 0 : i32
      %dma_wait3A_58 = arith.constant 0 : i32
      %dma_wait3A_59 = tpu.memref_slice %arg23[%dma_wait3A_57, %dma_wait3A_58] : memref<1264x128xf32, #tpu.memory_space<vmem_shared>> -> memref<1264x128xf32, #tpu.memory_space<vmem_shared>>
      tpu.wait_indirect_dma semaphore(%arg26 : memref<!tpu.dma_semaphore, #tpu.memory_space<semaphore_mem>>) src(%dma_wait3A_59 : memref<1264x128xf32, #tpu.memory_space<vmem_shared>>) dst(%dma_wait3A_56 : memref<16x128xf32, #tpu.memory_space<vmem>>)
      %dma_start3A_60 = arith.constant 0 : i32
      %dma_start3A_61 = arith.constant 0 : i32
      %dma_start3A_62 = tpu.memref_slice %arg19[%dma_start3A_60, %dma_start3A_61] : memref<40x128xf32, #tpu.memory_space<vmem>> -> memref<16x128xf32, #tpu.memory_space<vmem>>
      %dma_start3A_63 = arith.constant 0 : i32
      %dma_start3A_64 = tpu.memref_slice %arg10[%arg0, %mul3A_44, %dma_start3A_63] : memref<2x1264x128xf32, #tpu.memory_space<hbm>> -> memref<1x16x128xf32, #tpu.memory_space<hbm>>
      %dma_start3A_65 = tpu.memref_squeeze %dma_start3A_64 : memref<1x16x128xf32, #tpu.memory_space<hbm>> -> memref<16x128xf32, #tpu.memory_space<hbm>>
      %dma_start3A_66 = arith.constant 0 : i32
      %dma_start3A_67 = tpu.memref_slice %arg10[%arg0, %mul3A_44, %dma_start3A_66] : memref<2x1264x128xf32, #tpu.memory_space<hbm>> -> memref<1x16x128xf32, #tpu.memory_space<hbm>>
      %dma_start3A_68 = tpu.memref_squeeze %dma_start3A_67 : memref<1x16x128xf32, #tpu.memory_space<hbm>> -> memref<16x128xf32, #tpu.memory_space<hbm>>
      %dma_start3A_69 = arith.constant 0 : i32
      %dma_start3A_70 = arith.constant 0 : i32
      %dma_start3A_71 = tpu.memref_slice %arg19[%dma_start3A_69, %dma_start3A_70] : memref<40x128xf32, #tpu.memory_space<vmem>> -> memref<16x128xf32, #tpu.memory_space<vmem>>
      tpu.enqueue_dma source(%dma_start3A_71 : memref<16x128xf32, #tpu.memory_space<vmem>>) target(%dma_start3A_68 : memref<16x128xf32, #tpu.memory_space<hbm>>) target_semaphore(%arg27 : memref<!tpu.dma_semaphore, #tpu.memory_space<semaphore_mem>>)
      %dma_wait3A_72 = arith.constant 0 : i32
      %dma_wait3A_73 = arith.constant 0 : i32
      %dma_wait3A_74 = tpu.memref_slice %arg19[%dma_wait3A_72, %dma_wait3A_73] : memref<40x128xf32, #tpu.memory_space<vmem>> -> memref<16x128xf32, #tpu.memory_space<vmem>>
      %dma_wait3A_75 = arith.constant 0 : i32
      %dma_wait3A_76 = tpu.memref_slice %arg10[%arg0, %mul3A_44, %dma_wait3A_75] : memref<2x1264x128xf32, #tpu.memory_space<hbm>> -> memref<1x16x128xf32, #tpu.memory_space<hbm>>
      %dma_wait3A_77 = tpu.memref_squeeze %dma_wait3A_76 : memref<1x16x128xf32, #tpu.memory_space<hbm>> -> memref<16x128xf32, #tpu.memory_space<hbm>>
      %dma_wait3A_78 = arith.constant 0 : i32
      %dma_wait3A_79 = tpu.memref_slice %arg10[%arg0, %mul3A_44, %dma_wait3A_78] : memref<2x1264x128xf32, #tpu.memory_space<hbm>> -> memref<1x16x128xf32, #tpu.memory_space<hbm>>
      %dma_wait3A_80 = tpu.memref_squeeze %dma_wait3A_79 : memref<1x16x128xf32, #tpu.memory_space<hbm>> -> memref<16x128xf32, #tpu.memory_space<hbm>>
      %dma_wait3A_81 = arith.constant 0 : i32
      %dma_wait3A_82 = arith.constant 0 : i32
      %dma_wait3A_83 = tpu.memref_slice %arg19[%dma_wait3A_81, %dma_wait3A_82] : memref<40x128xf32, #tpu.memory_space<vmem>> -> memref<16x128xf32, #tpu.memory_space<vmem>>
      tpu.wait_dma2 semaphore(%arg27 : memref<!tpu.dma_semaphore, #tpu.memory_space<semaphore_mem>>) src(%dma_wait3A_83 : memref<16x128xf32, #tpu.memory_space<vmem>>) dst(%dma_wait3A_80 : memref<16x128xf32, #tpu.memory_space<hbm>>)
    }
    %scan3A_37 = arith.constant 5 : i32
    return
  }
}

module attributes {stable_mosaic.version = 14 : i64} {
  func.func @_qkv_body(%arg0: i32, %arg1: memref<1000x128xf32, #tpu.memory_space<vmem>>, %arg2: memref<128x384xf32, #tpu.memory_space<vmem>>, %arg3: memref<1x384xf32, #tpu.memory_space<vmem>>, %arg4: memref<1000x128xf32, #tpu.memory_space<vmem>>, %arg5: memref<1000x128xf32, #tpu.memory_space<vmem>>, %arg6: memref<1000x128xf32, #tpu.memory_space<vmem>>) attributes {dimension_semantics = [#tpu.dimension_semantics<arbitrary>], iteration_bounds = array<i64: 10>, scalar_prefetch = 0 : i64, scratch_operands = 0 : i64, tpu.core_type = #tpu.core_type<tc>, window_params = [{transform_indices = @transform_0, window_bounds = array<i64: 1000, 128>}, {pipeline_mode = #tpu.pipeline_mode<synchronous>, transform_indices = @transform_1, window_bounds = array<i64: 128, 384>}, {pipeline_mode = #tpu.pipeline_mode<synchronous>, transform_indices = @transform_2, window_bounds = array<i64: 1, 384>}, {transform_indices = @transform_3, window_bounds = array<i64: 1000, 128>}, {transform_indices = @transform_4, window_bounds = array<i64: 1000, 128>}, {transform_indices = @transform_5, window_bounds = array<i64: 1000, 128>}]} {
    %get3A = arith.constant 0 : index
    %get3A_0 = arith.constant 0 : index
    %get3A_1 = vector.load %arg1[%get3A, %get3A_0] : memref<1000x128xf32, #tpu.memory_space<vmem>>, vector<1000x128xf32>
    %get3A_2 = arith.constant 0 : index
    %get3A_3 = arith.constant 0 : index
    %get3A_4 = vector.load %arg2[%get3A_2, %get3A_3] : memref<128x384xf32, #tpu.memory_space<vmem>>, vector<128x384xf32>
    %dot_general3A = arith.constant dense<0.000000e+00> : vector<1000x384xf32>
    %dot_general3A_5 = tpu.matmul %get3A_1, %get3A_4, %dot_general3A {dimension_numbers = #tpu.dot_dimension_numbers<[1], [0], [0], [1], [0, 0, 1, 1], [], []>, transpose_lhs_hint = false} : vector<1000x128xf32>, vector<128x384xf32>, vector<1000x384xf32> -> vector<1000x384xf32>
    %get3A_6 = arith.constant 0 : index
    %get3A_7 = arith.constant 0 : index
    %get3A_8 = vector.load %arg3[%get3A_6, %get3A_7] : memref<1x384xf32, #tpu.memory_space<vmem>>, vector<1x384xf32>
    %add3A = vector.broadcast %get3A_8 : vector<1x384xf32> to vector<1000x384xf32>
    %add3A_9 = arith.addf %dot_general3A_5, %add3A : vector<1000x384xf32>
    %slice3A = vector.extract_strided_slice %add3A_9 {offsets = [0, 0], sizes = [1000, 128], strides = [1, 1]} : vector<1000x384xf32> to vector<1000x128xf32>
    %swap3A = arith.constant 0 : index
    %swap3A_10 = arith.constant 0 : index
    %swap3A_11 = vector.load %arg4[%swap3A, %swap3A_10] : memref<1000x128xf32, #tpu.memory_space<vmem>>, vector<1000x128xf32>
    tpu.vector_store %arg4[%swap3A, %swap3A_10], %slice3A {strides = array<i32>} : memref<1000x128xf32, #tpu.memory_space<vmem>>, vector<1000x128xf32>,
    %slice3A_12 = vector.extract_strided_slice %add3A_9 {offsets = [0, 128], sizes = [1000, 128], strides = [1, 1]} : vector<1000x384xf32> to vector<1000x128xf32>
    %swap3A_13 = arith.constant 0 : index
    %swap3A_14 = arith.constant 0 : index
    %swap3A_15 = vector.load %arg5[%swap3A_13, %swap3A_14] : memref<1000x128xf32, #tpu.memory_space<vmem>>, vector<1000x128xf32>
    tpu.vector_store %arg5[%swap3A_13, %swap3A_14], %slice3A_12 {strides = array<i32>} : memref<1000x128xf32, #tpu.memory_space<vmem>>, vector<1000x128xf32>,
    %slice3A_16 = vector.extract_strided_slice %add3A_9 {offsets = [0, 256], sizes = [1000, 128], strides = [1, 1]} : vector<1000x384xf32> to vector<1000x128xf32>
    %swap3A_17 = arith.constant 0 : index
    %swap3A_18 = arith.constant 0 : index
    %swap3A_19 = vector.load %arg6[%swap3A_17, %swap3A_18] : memref<1000x128xf32, #tpu.memory_space<vmem>>, vector<1000x128xf32>
    tpu.vector_store %arg6[%swap3A_17, %swap3A_18], %slice3A_16 {strides = array<i32>} : memref<1000x128xf32, #tpu.memory_space<vmem>>, vector<1000x128xf32>,
    return
  }
  func.func @transform_0(%arg0: i32) -> (i32, i32) {
    %c0_i32 = arith.constant 0 : i32
    %c0_i32_0 = arith.constant 0 : i32
    return %arg0, %c0_i32 : i32, i32
  }
  func.func @transform_1(%arg0: i32) -> (i32, i32) {
    %c0_i32 = arith.constant 0 : i32
    %c0_i32_0 = arith.constant 0 : i32
    %c0_i32_1 = arith.constant 0 : i32
    return %c0_i32, %c0_i32_0 : i32, i32
  }
  func.func @transform_2(%arg0: i32) -> (i32, i32) {
    %c0_i32 = arith.constant 0 : i32
    %c0_i32_0 = arith.constant 0 : i32
    %c0_i32_1 = arith.constant 0 : i32
    return %c0_i32, %c0_i32_0 : i32, i32
  }
  func.func @transform_3(%arg0: i32) -> (i32, i32) {
    %c0_i32 = arith.constant 0 : i32
    %c0_i32_0 = arith.constant 0 : i32
    return %arg0, %c0_i32 : i32, i32
  }
  func.func @transform_4(%arg0: i32) -> (i32, i32) {
    %c0_i32 = arith.constant 0 : i32
    %c0_i32_0 = arith.constant 0 : i32
    return %arg0, %c0_i32 : i32, i32
  }
  func.func @transform_5(%arg0: i32) -> (i32, i32) {
    %c0_i32 = arith.constant 0 : i32
    %c0_i32_0 = arith.constant 0 : i32
    return %arg0, %c0_i32 : i32, i32
  }
}

module attributes {stable_mosaic.version = 14 : i64} {
  func.func @_post_body(%arg0: i32, %arg1: memref<1000x128xf32, #tpu.memory_space<vmem>>, %arg2: memref<2x1000x128xf32, #tpu.memory_space<vmem>>, %arg3: memref<2x1000x16xf32, #tpu.memory_space<vmem>>, %arg4: memref<128x128xf32, #tpu.memory_space<vmem>>, %arg5: memref<1x128xf32, #tpu.memory_space<vmem>>, %arg6: memref<1x128xf32, #tpu.memory_space<vmem>>, %arg7: memref<1x128xf32, #tpu.memory_space<vmem>>, %arg8: memref<128x512xf32, #tpu.memory_space<vmem>>, %arg9: memref<1x512xf32, #tpu.memory_space<vmem>>, %arg10: memref<512x128xf32, #tpu.memory_space<vmem>>, %arg11: memref<1x128xf32, #tpu.memory_space<vmem>>, %arg12: memref<1x128xf32, #tpu.memory_space<vmem>>, %arg13: memref<1x128xf32, #tpu.memory_space<vmem>>, %arg14: memref<1000x128xf32, #tpu.memory_space<vmem>>) attributes {dimension_semantics = [#tpu.dimension_semantics<arbitrary>], iteration_bounds = array<i64: 10>, scalar_prefetch = 0 : i64, scratch_operands = 0 : i64, tpu.core_type = #tpu.core_type<tc>, window_params = [{transform_indices = @transform_0, window_bounds = array<i64: 1000, 128>}, {transform_indices = @transform_1, window_bounds = array<i64: 2, 1000, 128>}, {transform_indices = @transform_2, window_bounds = array<i64: 2, 1000, 16>}, {pipeline_mode = #tpu.pipeline_mode<synchronous>, transform_indices = @transform_3, window_bounds = array<i64: 128, 128>}, {pipeline_mode = #tpu.pipeline_mode<synchronous>, transform_indices = @transform_4, window_bounds = array<i64: 1, 128>}, {pipeline_mode = #tpu.pipeline_mode<synchronous>, transform_indices = @transform_5, window_bounds = array<i64: 1, 128>}, {pipeline_mode = #tpu.pipeline_mode<synchronous>, transform_indices = @transform_6, window_bounds = array<i64: 1, 128>}, {pipeline_mode = #tpu.pipeline_mode<synchronous>, transform_indices = @transform_7, window_bounds = array<i64: 128, 512>}, {pipeline_mode = #tpu.pipeline_mode<synchronous>, transform_indices = @transform_8, window_bounds = array<i64: 1, 512>}, {pipeline_mode = #tpu.pipeline_mode<synchronous>, transform_indices = @transform_9, window_bounds = array<i64: 512, 128>}, {pipeline_mode = #tpu.pipeline_mode<synchronous>, transform_indices = @transform_10, window_bounds = array<i64: 1, 128>}, {pipeline_mode = #tpu.pipeline_mode<synchronous>, transform_indices = @transform_11, window_bounds = array<i64: 1, 128>}, {pipeline_mode = #tpu.pipeline_mode<synchronous>, transform_indices = @transform_12, window_bounds = array<i64: 1, 128>}, {transform_indices = @transform_13, window_bounds = array<i64: 1000, 128>}]} {
    %get3A = arith.constant 0 : index
    %get3A_0 = arith.constant 0 : index
    %get3A_1 = arith.constant 0 : index
    %get3A_2 = vector.load %arg2[%get3A, %get3A_0, %get3A_1] : memref<2x1000x128xf32, #tpu.memory_space<vmem>>, vector<1x1000x128xf32>
    %get3A_3 = vector.shape_cast %get3A_2 : vector<1x1000x128xf32> to vector<1000x128xf32>
    %get3A_4 = arith.constant 1 : index
    %get3A_5 = arith.constant 0 : index
    %get3A_6 = arith.constant 0 : index
    %get3A_7 = vector.load %arg2[%get3A_4, %get3A_5, %get3A_6] : memref<2x1000x128xf32, #tpu.memory_space<vmem>>, vector<1x1000x128xf32>
    %get3A_8 = vector.shape_cast %get3A_7 : vector<1x1000x128xf32> to vector<1000x128xf32>
    %add3A = arith.addf %get3A_3, %get3A_8 : vector<1000x128xf32>
    %get3A_9 = arith.constant 0 : index
    %get3A_10 = arith.constant 0 : index
    %get3A_11 = arith.constant 0 : index
    %get3A_12 = vector.load %arg3[%get3A_9, %get3A_10, %get3A_11] : memref<2x1000x16xf32, #tpu.memory_space<vmem>>, vector<1x1000x16xf32>
    %get3A_13 = vector.shape_cast %get3A_12 : vector<1x1000x16xf32> to vector<1000x16xf32>
    %get3A_14 = arith.constant 1 : index
    %get3A_15 = arith.constant 0 : index
    %get3A_16 = arith.constant 0 : index
    %get3A_17 = vector.load %arg3[%get3A_14, %get3A_15, %get3A_16] : memref<2x1000x16xf32, #tpu.memory_space<vmem>>, vector<1x1000x16xf32>
    %get3A_18 = vector.shape_cast %get3A_17 : vector<1x1000x16xf32> to vector<1000x16xf32>
    %add3A_19 = arith.addf %get3A_13, %get3A_18 : vector<1000x16xf32>
    %iota3A = tpu.iota {dimensions = array<i32: 0>} : vector<16x128xi32>
    %iota3A_20 = tpu.iota {dimensions = array<i32: 1>} : vector<16x128xi32>
    %jit3A = arith.constant 16 : i32
    %div3A = vector.broadcast %jit3A : i32 to vector<16x128xi32>
    %div3A_21 = arith.divsi %iota3A_20, %div3A : vector<16x128xi32>
    %sign3A = arith.constant 0 : i32
    %sign3A_22 = vector.broadcast %sign3A : i32 to vector<16x128xi32>
    %sign3A_23 = arith.cmpi sgt, %iota3A_20, %sign3A_22 : vector<16x128xi32>
    %sign3A_24 = arith.extui %sign3A_23 : vector<16x128xi1> to vector<16x128xi32>
    %sign3A_25 = arith.constant 0 : i32
    %sign3A_26 = vector.broadcast %sign3A_25 : i32 to vector<16x128xi32>
    %sign3A_27 = arith.cmpi slt, %iota3A_20, %sign3A_26 : vector<16x128xi32>
    %sign3A_28 = arith.extui %sign3A_27 : vector<16x128xi1> to vector<16x128xi32>
    %sign3A_29 = arith.subi %sign3A_24, %sign3A_28 : vector<16x128xi32>
    %sign3A_30 = arith.constant 0 : i32
    %sign3A_31 = arith.cmpi sgt, %jit3A, %sign3A_30 : i32
    %sign3A_32 = arith.extui %sign3A_31 : i1 to i32
    %sign3A_33 = arith.constant 0 : i32
    %sign3A_34 = arith.cmpi slt, %jit3A, %sign3A_33 : i32
    %sign3A_35 = arith.extui %sign3A_34 : i1 to i32
    %sign3A_36 = arith.subi %sign3A_32, %sign3A_35 : i32
    %ne3A = vector.broadcast %sign3A_36 : i32 to vector<16x128xi32>
    %ne3A_37 = arith.cmpi ne, %sign3A_29, %ne3A : vector<16x128xi32>
    %rem3A = vector.broadcast %jit3A : i32 to vector<16x128xi32>
    %rem3A_38 = arith.remsi %iota3A_20, %rem3A : vector<16x128xi32>
    %ne3A_39 = arith.constant 0 : i32
    %ne3A_40 = vector.broadcast %ne3A_39 : i32 to vector<16x128xi32>
    %ne3A_41 = arith.cmpi ne, %rem3A_38, %ne3A_40 : vector<16x128xi32>
    %and3A = arith.andi %ne3A_37, %ne3A_41 : vector<16x128xi1>
    %sub3A = arith.constant 1 : i32
    %sub3A_42 = vector.broadcast %sub3A : i32 to vector<16x128xi32>
    %sub3A_43 = arith.subi %div3A_21, %sub3A_42 : vector<16x128xi32>
    %select_n3A = arith.select %and3A, %sub3A_43, %div3A_21 : vector<16x128xi1>, vector<16x128xi32>
    %eq3A = arith.cmpi eq, %iota3A, %select_n3A : vector<16x128xi32>
    %convert_element_type3A = arith.extui %eq3A : vector<16x128xi1> to vector<16x128xi32>
    %convert_element_type3A_44 = arith.sitofp %convert_element_type3A : vector<16x128xi32> to vector<16x128xf32>
    %dot_general3A = arith.constant dense<0.000000e+00> : vector<1000x128xf32>
    %dot_general3A_45 = tpu.matmul %add3A_19, %convert_element_type3A_44, %dot_general3A {dimension_numbers = #tpu.dot_dimension_numbers<[1], [0], [0], [1], [0, 0, 1, 1], [], []>, transpose_lhs_hint = false} : vector<1000x16xf32>, vector<16x128xf32>, vector<1000x128xf32> -> vector<1000x128xf32>
    %div3A_46 = arith.divf %add3A, %dot_general3A_45 : vector<1000x128xf32>
    %get3A_47 = arith.constant 0 : index
    %get3A_48 = arith.constant 0 : index
    %get3A_49 = vector.load %arg1[%get3A_47, %get3A_48] : memref<1000x128xf32, #tpu.memory_space<vmem>>, vector<1000x128xf32>
    %get3A_50 = arith.constant 0 : index
    %get3A_51 = arith.constant 0 : index
    %get3A_52 = vector.load %arg4[%get3A_50, %get3A_51] : memref<128x128xf32, #tpu.memory_space<vmem>>, vector<128x128xf32>
    %dot_general3A_53 = arith.constant dense<0.000000e+00> : vector<1000x128xf32>
    %dot_general3A_54 = tpu.matmul %div3A_46, %get3A_52, %dot_general3A_53 {dimension_numbers = #tpu.dot_dimension_numbers<[1], [0], [0], [1], [0, 0, 1, 1], [], []>, transpose_lhs_hint = false} : vector<1000x128xf32>, vector<128x128xf32>, vector<1000x128xf32> -> vector<1000x128xf32>
    %add3A_55 = arith.addf %get3A_49, %dot_general3A_54 : vector<1000x128xf32>
    %get3A_56 = arith.constant 0 : index
    %get3A_57 = arith.constant 0 : index
    %get3A_58 = vector.load %arg5[%get3A_56, %get3A_57] : memref<1x128xf32, #tpu.memory_space<vmem>>, vector<1x128xf32>
    %add3A_59 = vector.broadcast %get3A_58 : vector<1x128xf32> to vector<1000x128xf32>
    %add3A_60 = arith.addf %add3A_55, %add3A_59 : vector<1000x128xf32>
    %reduce_sum3A = arith.constant dense<0.000000e+00> : vector<1000xf32>
    %reduce_sum3A_61 = vector.multi_reduction <add>, %add3A_60, %reduce_sum3A [1] : vector<1000x128xf32> to vector<1000xf32>
    %broadcast_in_dim3A = vector.shape_cast %reduce_sum3A_61 : vector<1000xf32> to vector<1000x1xf32>
    %div3A_62 = arith.constant 1.280000e+02 : f32
    %div3A_63 = vector.broadcast %div3A_62 : f32 to vector<1000x1xf32>
    %div3A_64 = arith.divf %broadcast_in_dim3A, %div3A_63 : vector<1000x1xf32>
    %sub3A_65 = vector.broadcast %div3A_64 : vector<1000x1xf32> to vector<1000x128xf32>
    %sub3A_66 = arith.subf %add3A_60, %sub3A_65 : vector<1000x128xf32>
    %integer_pow3A = arith.mulf %sub3A_66, %sub3A_66 : vector<1000x128xf32>
    %reduce_sum3A_67 = arith.constant dense<0.000000e+00> : vector<1000xf32>
    %reduce_sum3A_68 = vector.multi_reduction <add>, %integer_pow3A, %reduce_sum3A_67 [1] : vector<1000x128xf32> to vector<1000xf32>
    %broadcast_in_dim3A_69 = vector.shape_cast %reduce_sum3A_68 : vector<1000xf32> to vector<1000x1xf32>
    %div3A_70 = arith.constant 1.280000e+02 : f32
    %div3A_71 = vector.broadcast %div3A_70 : f32 to vector<1000x1xf32>
    %div3A_72 = arith.divf %broadcast_in_dim3A_69, %div3A_71 : vector<1000x1xf32>
    %sub3A_73 = vector.broadcast %div3A_64 : vector<1000x1xf32> to vector<1000x128xf32>
    %sub3A_74 = arith.subf %add3A_60, %sub3A_73 : vector<1000x128xf32>
    %add3A_75 = arith.constant 9.99999974E-6 : f32
    %add3A_76 = vector.broadcast %add3A_75 : f32 to vector<1000x1xf32>
    %add3A_77 = arith.addf %div3A_72, %add3A_76 : vector<1000x1xf32>
    %sqrt3A = math.sqrt %add3A_77 : vector<1000x1xf32>
    %div3A_78 = vector.broadcast %sqrt3A : vector<1000x1xf32> to vector<1000x128xf32>
    %div3A_79 = arith.divf %sub3A_74, %div3A_78 : vector<1000x128xf32>
    %get3A_80 = arith.constant 0 : index
    %get3A_81 = arith.constant 0 : index
    %get3A_82 = vector.load %arg6[%get3A_80, %get3A_81] : memref<1x128xf32, #tpu.memory_space<vmem>>, vector<1x128xf32>
    %mul3A = vector.broadcast %get3A_82 : vector<1x128xf32> to vector<1000x128xf32>
    %mul3A_83 = arith.mulf %div3A_79, %mul3A : vector<1000x128xf32>
    %get3A_84 = arith.constant 0 : index
    %get3A_85 = arith.constant 0 : index
    %get3A_86 = vector.load %arg7[%get3A_84, %get3A_85] : memref<1x128xf32, #tpu.memory_space<vmem>>, vector<1x128xf32>
    %add3A_87 = vector.broadcast %get3A_86 : vector<1x128xf32> to vector<1000x128xf32>
    %add3A_88 = arith.addf %mul3A_83, %add3A_87 : vector<1000x128xf32>
    %get3A_89 = arith.constant 0 : index
    %get3A_90 = arith.constant 0 : index
    %get3A_91 = vector.load %arg8[%get3A_89, %get3A_90] : memref<128x512xf32, #tpu.memory_space<vmem>>, vector<128x512xf32>
    %dot_general3A_92 = arith.constant dense<0.000000e+00> : vector<1000x512xf32>
    %dot_general3A_93 = tpu.matmul %add3A_88, %get3A_91, %dot_general3A_92 {dimension_numbers = #tpu.dot_dimension_numbers<[1], [0], [0], [1], [0, 0, 1, 1], [], []>, transpose_lhs_hint = false} : vector<1000x128xf32>, vector<128x512xf32>, vector<1000x512xf32> -> vector<1000x512xf32>
    %get3A_94 = arith.constant 0 : index
    %get3A_95 = arith.constant 0 : index
    %get3A_96 = vector.load %arg9[%get3A_94, %get3A_95] : memref<1x512xf32, #tpu.memory_space<vmem>>, vector<1x512xf32>
    %add3A_97 = vector.broadcast %get3A_96 : vector<1x512xf32> to vector<1000x512xf32>
    %add3A_98 = arith.addf %dot_general3A_93, %add3A_97 : vector<1000x512xf32>
    %max3A = arith.constant 0.000000e+00 : f32
    %max3A_99 = vector.broadcast %max3A : f32 to vector<1000x512xf32>
    %max3A_100 = arith.maximumf %add3A_98, %max3A_99 : vector<1000x512xf32>
    %get3A_101 = arith.constant 0 : index
    %get3A_102 = arith.constant 0 : index
    %get3A_103 = vector.load %arg10[%get3A_101, %get3A_102] : memref<512x128xf32, #tpu.memory_space<vmem>>, vector<512x128xf32>
    %dot_general3A_104 = arith.constant dense<0.000000e+00> : vector<1000x128xf32>
    %dot_general3A_105 = tpu.matmul %max3A_100, %get3A_103, %dot_general3A_104 {dimension_numbers = #tpu.dot_dimension_numbers<[1], [0], [0], [1], [0, 0, 1, 1], [], []>, transpose_lhs_hint = false} : vector<1000x512xf32>, vector<512x128xf32>, vector<1000x128xf32> -> vector<1000x128xf32>
    %get3A_106 = arith.constant 0 : index
    %get3A_107 = arith.constant 0 : index
    %get3A_108 = vector.load %arg11[%get3A_106, %get3A_107] : memref<1x128xf32, #tpu.memory_space<vmem>>, vector<1x128xf32>
    %add3A_109 = vector.broadcast %get3A_108 : vector<1x128xf32> to vector<1000x128xf32>
    %add3A_110 = arith.addf %dot_general3A_105, %add3A_109 : vector<1000x128xf32>
    %add3A_111 = arith.addf %add3A_88, %add3A_110 : vector<1000x128xf32>
    %reduce_sum3A_112 = arith.constant dense<0.000000e+00> : vector<1000xf32>
    %reduce_sum3A_113 = vector.multi_reduction <add>, %add3A_111, %reduce_sum3A_112 [1] : vector<1000x128xf32> to vector<1000xf32>
    %broadcast_in_dim3A_114 = vector.shape_cast %reduce_sum3A_113 : vector<1000xf32> to vector<1000x1xf32>
    %div3A_115 = arith.constant 1.280000e+02 : f32
    %div3A_116 = vector.broadcast %div3A_115 : f32 to vector<1000x1xf32>
    %div3A_117 = arith.divf %broadcast_in_dim3A_114, %div3A_116 : vector<1000x1xf32>
    %sub3A_118 = vector.broadcast %div3A_117 : vector<1000x1xf32> to vector<1000x128xf32>
    %sub3A_119 = arith.subf %add3A_111, %sub3A_118 : vector<1000x128xf32>
    %integer_pow3A_120 = arith.mulf %sub3A_119, %sub3A_119 : vector<1000x128xf32>
    %reduce_sum3A_121 = arith.constant dense<0.000000e+00> : vector<1000xf32>
    %reduce_sum3A_122 = vector.multi_reduction <add>, %integer_pow3A_120, %reduce_sum3A_121 [1] : vector<1000x128xf32> to vector<1000xf32>
    %broadcast_in_dim3A_123 = vector.shape_cast %reduce_sum3A_122 : vector<1000xf32> to vector<1000x1xf32>
    %div3A_124 = arith.constant 1.280000e+02 : f32
    %div3A_125 = vector.broadcast %div3A_124 : f32 to vector<1000x1xf32>
    %div3A_126 = arith.divf %broadcast_in_dim3A_123, %div3A_125 : vector<1000x1xf32>
    %sub3A_127 = vector.broadcast %div3A_117 : vector<1000x1xf32> to vector<1000x128xf32>
    %sub3A_128 = arith.subf %add3A_111, %sub3A_127 : vector<1000x128xf32>
    %add3A_129 = arith.constant 9.99999974E-6 : f32
    %add3A_130 = vector.broadcast %add3A_129 : f32 to vector<1000x1xf32>
    %add3A_131 = arith.addf %div3A_126, %add3A_130 : vector<1000x1xf32>
    %sqrt3A_132 = math.sqrt %add3A_131 : vector<1000x1xf32>
    %div3A_133 = vector.broadcast %sqrt3A_132 : vector<1000x1xf32> to vector<1000x128xf32>
    %div3A_134 = arith.divf %sub3A_128, %div3A_133 : vector<1000x128xf32>
    %get3A_135 = arith.constant 0 : index
    %get3A_136 = arith.constant 0 : index
    %get3A_137 = vector.load %arg12[%get3A_135, %get3A_136] : memref<1x128xf32, #tpu.memory_space<vmem>>, vector<1x128xf32>
    %mul3A_138 = vector.broadcast %get3A_137 : vector<1x128xf32> to vector<1000x128xf32>
    %mul3A_139 = arith.mulf %div3A_134, %mul3A_138 : vector<1000x128xf32>
    %get3A_140 = arith.constant 0 : index
    %get3A_141 = arith.constant 0 : index
    %get3A_142 = vector.load %arg13[%get3A_140, %get3A_141] : memref<1x128xf32, #tpu.memory_space<vmem>>, vector<1x128xf32>
    %add3A_143 = vector.broadcast %get3A_142 : vector<1x128xf32> to vector<1000x128xf32>
    %add3A_144 = arith.addf %mul3A_139, %add3A_143 : vector<1000x128xf32>
    %swap3A = arith.constant 0 : index
    %swap3A_145 = arith.constant 0 : index
    %swap3A_146 = vector.load %arg14[%swap3A, %swap3A_145] : memref<1000x128xf32, #tpu.memory_space<vmem>>, vector<1000x128xf32>
    tpu.vector_store %arg14[%swap3A, %swap3A_145], %add3A_144 {strides = array<i32>} : memref<1000x128xf32, #tpu.memory_space<vmem>>, vector<1000x128xf32>,
    return
  }
  func.func @transform_0(%arg0: i32) -> (i32, i32) {
    %c0_i32 = arith.constant 0 : i32
    %c0_i32_0 = arith.constant 0 : i32
    return %arg0, %c0_i32 : i32, i32
  }
  func.func @transform_1(%arg0: i32) -> (i32, i32, i32) {
    %c0_i32 = arith.constant 0 : i32
    %c0_i32_0 = arith.constant 0 : i32
    %c0_i32_1 = arith.constant 0 : i32
    return %c0_i32, %arg0, %c0_i32_0 : i32, i32, i32
  }
  func.func @transform_2(%arg0: i32) -> (i32, i32, i32) {
    %c0_i32 = arith.constant 0 : i32
    %c0_i32_0 = arith.constant 0 : i32
    %c0_i32_1 = arith.constant 0 : i32
    return %c0_i32, %arg0, %c0_i32_0 : i32, i32, i32
  }
  func.func @transform_3(%arg0: i32) -> (i32, i32) {
    %c0_i32 = arith.constant 0 : i32
    %c0_i32_0 = arith.constant 0 : i32
    %c0_i32_1 = arith.constant 0 : i32
    return %c0_i32, %c0_i32_0 : i32, i32
  }
  func.func @transform_4(%arg0: i32) -> (i32, i32) {
    %c0_i32 = arith.constant 0 : i32
    %c0_i32_0 = arith.constant 0 : i32
    %c0_i32_1 = arith.constant 0 : i32
    return %c0_i32, %c0_i32_0 : i32, i32
  }
  func.func @transform_5(%arg0: i32) -> (i32, i32) {
    %c0_i32 = arith.constant 0 : i32
    %c0_i32_0 = arith.constant 0 : i32
    %c0_i32_1 = arith.constant 0 : i32
    return %c0_i32, %c0_i32_0 : i32, i32
  }
  func.func @transform_6(%arg0: i32) -> (i32, i32) {
    %c0_i32 = arith.constant 0 : i32
    %c0_i32_0 = arith.constant 0 : i32
    %c0_i32_1 = arith.constant 0 : i32
    return %c0_i32, %c0_i32_0 : i32, i32
  }
  func.func @transform_7(%arg0: i32) -> (i32, i32) {
    %c0_i32 = arith.constant 0 : i32
    %c0_i32_0 = arith.constant 0 : i32
    %c0_i32_1 = arith.constant 0 : i32
    return %c0_i32, %c0_i32_0 : i32, i32
  }
  func.func @transform_8(%arg0: i32) -> (i32, i32) {
    %c0_i32 = arith.constant 0 : i32
    %c0_i32_0 = arith.constant 0 : i32
    %c0_i32_1 = arith.constant 0 : i32
    return %c0_i32, %c0_i32_0 : i32, i32
  }
  func.func @transform_9(%arg0: i32) -> (i32, i32) {
    %c0_i32 = arith.constant 0 : i32
    %c0_i32_0 = arith.constant 0 : i32
    %c0_i32_1 = arith.constant 0 : i32
    return %c0_i32, %c0_i32_0 : i32, i32
  }
  func.func @transform_10(%arg0: i32) -> (i32, i32) {
    %c0_i32 = arith.constant 0 : i32
    %c0_i32_0 = arith.constant 0 : i32
    %c0_i32_1 = arith.constant 0 : i32
    return %c0_i32, %c0_i32_0 : i32, i32
  }
  func.func @transform_11(%arg0: i32) -> (i32, i32) {
    %c0_i32 = arith.constant 0 : i32
    %c0_i32_0 = arith.constant 0 : i32
    %c0_i32_1 = arith.constant 0 : i32
    return %c0_i32, %c0_i32_0 : i32, i32
  }
  func.func @transform_12(%arg0: i32) -> (i32, i32) {
    %c0_i32 = arith.constant 0 : i32
    %c0_i32_0 = arith.constant 0 : i32
    %c0_i32_1 = arith.constant 0 : i32
    return %c0_i32, %c0_i32_0 : i32, i32
  }
  func.func @transform_13(%arg0: i32) -> (i32, i32) {
    %c0_i32 = arith.constant 0 : i32
    %c0_i32_0 = arith.constant 0 : i32
    return %arg0, %c0_i32 : i32, i32
  }
}

</mosaic_0001>

<sc_bundles>
// kernel: kernel.5.cloned.1.call-start
scs
__scs_entry_jumppad:
0x0: {  	(pc) =	sbr.rel $0x88, $3  }
0x1: {  	(tag) =	ssettag $0x0;
	lr =	simm.s32 $0x1  }
0x2: {  	[smem:$0x3F90] =	sst lr;
	_ =	strace $0xD0000000  }
0x3: {  	_ = 	snop  }
0x4: {  	_ = 	snop  }
0x5: {  	_ = 	snop  }
0x6: {  	_ = 	snop  }
0x7: {  	_ = 	snop  }
__scs_overlays_trampoline_lowered:
0x8: {  	[smem:$0x3F9F] =	sst s0  }
0x9: {  	[smem:$0x3FA0] =	sst s1  }
0xa: {  	[smem:$0x3FA1] =	sst s2  }
0xb: {  	[smem:$0x3FA2] =	sst s3  }
0xc: {  	[smem:$0x3FA3] =	sst s4  }
0xd: {  	[smem:$0x3FA4] =	sst s5  }
0xe: {  	[smem:$0x3FA5] =	sst s6  }
0xf: {  	[smem:$0x3FA6] =	sst s7  }
0x10: {  	[smem:$0x3FA7] =	sst s8  }
0x11: {  	[smem:$0x3FA8] =	sst s9;
	s0 =	simm.s32 @!p0 $0x0  }
0x12: {  	s1 =	sld [smem:$0x3F8E];
	s0 =	simm.s32 @p0 $0x1  }
0x13: {  	[smem:$0x3FA9] =	sst s0;
	s0 =	simm.s32 @!p1 $0x0  }
0x14: {  	s2 =	sld [smem:$0x3F8D];
	s0 =	simm.s32 @p1 $0x1  }
0x15: {  	[smem:$0x3FAA] =	sst s0;
	s0 =	simm.s32 @!p2 $0x0  }
0x16: {  	s3 =	sld [smem:$0x3FDB];
	s0 =	simm.s32 @p2 $0x1  }
0x17: {  	s4 =	simm.s32 $0x1BF5;
	[smem:$0x3FAC] =	sst s0  }
0x18: {  	s0 =	sld [smem:$0x3F8F];
	_ =	swait.ge [sflag:s4], $0x0  }
0x19: {  	s7 =	sld [smem:$0x3F90]  }
0x1a: {  	s8 =	sadd.s32 $0xFFFFE003, lr  }
0x1b: {  	s9 =	sadd.s32 $0xFFFFFEF7, lr;
	s5 =	simm.s32 $0xFFFFFFFF;
	p2 =	slt.u32 s8, $0xFFFFF086  }
0x1c: {  	p1 =	slt.u32 s9, $0xF7A;
	s5 =	simm.s32 @!p2 $0x0  }
0x1d: {  	s5 =	simm.s32 @p1 $0x1;
	p0 =	seq.s32 s7, s2  }
0x1e: {  	s7 =	smul.u32 @!p0 $0xF7A, s2;
	p2 =	seq.s32 @!p0 s5, $0x0  }
0x1f: {  	s9 =	smul.u32 $0xF7A, s1;
	s8 =	simm.s32 @!p0 $0x1BF5;
	p2 =	por !p2, p0  }
0x20: {  	[sflag:s8] =	ssyncset.s32 @!p0 $0xFFFFF086;
	s6 =	sadd.s32 @!p0 s3, s7;
	s7 =	simm.s32 @!p0 $0x108  }
0x21: {  	s3 =	sadd.s32 s3, s9;
	s6 =	sadd.s32 @!p0 $0x88, s6;
	s7 =	simm.s32 @p2 $0x1082  }
0x22: {  	[simem:s7], [sflag:s8] =	dma.local @!p0 [hbm:s6], $0xF7A  }
0x23: {  	s9 =	sor.u32 $0xD0000000, s2;
	s6 =	simm.s32 $0x108;
	_ =	swait.ge @!p0 [sflag:s8], $0x0  }
0x24: {  	s3 =	sadd.s32 $0x88, s3;
	s6 =	simm.s32 @!p1 $0x1082;
	[sflag:s4] =	ssyncset.s32 $0xFFFFF086  }
0x25: {  	[simem:s6], [sflag:s4] =	dma.local [hbm:s3], $0xF7A  }
0x26: {  	[smem:$0x3F90] =	sst s1;
	(tag) =	ssettag s2;
	_ =	strace s9  }
0x27: {  	s1 =	sld [smem:$0x3FA0]  }
0x28: {  	s2 =	sld [smem:$0x3FA1]  }
0x29: {  	s4 =	sld [smem:$0x3FA3]  }
0x2a: {  	p0 =	seq.s32 s5, $0x0;
	s5 =	sld [smem:$0x3FA4]  }
0x2b: {  	s6 =	sld [smem:$0x3FA5]  }
0x2c: {  	s7 =	sld [smem:$0x3FA6]  }
0x2d: {  	s3 =	simm.s32 $0x108;
	s8 =	sld [smem:$0x3FA7]  }
0x2e: {  	s3 =	simm.s32 @!p0 $0x1082;
	s9 =	sld [smem:$0x3FA8]  }
0x2f: {  	lr =	sadd.s32 s0, s3;
	s0 =	sld [smem:$0x3F9F]  }
0x30: {  	s3 =	sld [smem:$0x3FA2]  }
0x31: {  	[smem:$0x3FAB] =	sst s10  }
0x32: {  	s10 =	sld [smem:$0x3FA9];
	_ =	sdelay $0x3  }
0x33: {  	p0 =	seq.s32 s10, $0x1;
	s10 =	sld [smem:$0x3FAB];
	_ =	sdelay $0x3  }
0x34: {  	[smem:$0x3FAB] =	sst s10  }
0x35: {  	s10 =	sld [smem:$0x3FAA];
	_ =	sdelay $0x3  }
0x36: {  	p1 =	seq.s32 s10, $0x1;
	s10 =	sld [smem:$0x3FAB];
	_ =	sdelay $0x3  }
0x37: {  	[smem:$0x3FAB] =	sst s10  }
0x38: {  	s10 =	sld [smem:$0x3FAC]  }
0x39: {  	_ = 	snop;
	(pc) =	sbr.ind lr, $3  }
0x3a: {  	_ = 	snop  }
0x3b: {  	_ = 	snop  }
0x3c: {  	p2 =	seq.s32 s10, $0x1;
	s10 =	sld [smem:$0x3FAB]  }
0x3d: {  	_ =	shalt  }
0x3e: {  	_ =	shalt  }
0x3f: {  	_ =	shalt  }
0x40: {  	_ =	shalt  }
0x41: {  	_ =	shalt  }
0x42: {  	_ =	shalt  }
0x43: {  	_ =	shalt  }
0x44: {  	_ =	shalt  }
0x45: {  	_ =	shalt  }
0x46: {  	_ =	shalt  }
0x47: {  	_ =	shalt  }
0x48: {  	_ =	shalt  }
0x49: {  	_ =	shalt  }
0x4a: {  	_ =	shalt  }
0x4b: {  	_ =	shalt  }
0x4c: {  	_ =	shalt  }
0x4d: {  	_ =	shalt  }
0x4e: {  	_ =	shalt  }
0x4f: {  	_ =	shalt  }
0x50: {  	_ =	shalt  }
0x51: {  	_ =	shalt  }
0x52: {  	_ =	shalt  }
0x53: {  	_ =	shalt  }
0x54: {  	_ =	shalt  }
0x55: {  	_ =	shalt  }
0x56: {  	_ =	shalt  }
0x57: {  	_ =	shalt  }
0x58: {  	_ =	shalt  }
0x59: {  	_ =	shalt  }
0x5a: {  	_ =	shalt  }
0x5b: {  	_ =	shalt  }
0x5c: {  	_ =	shalt  }
0x5d: {  	_ =	shalt  }
0x5e: {  	_ =	shalt  }
0x5f: {  	_ =	shalt  }
0x60: {  	_ =	shalt  }
0x61: {  	_ =	shalt  }
0x62: {  	_ =	shalt  }
0x63: {  	_ =	shalt  }
0x64: {  	_ =	shalt  }
0x65: {  	_ =	shalt  }
0x66: {  	_ =	shalt  }
0x67: {  	_ =	shalt  }
0x68: {  	_ =	shalt  }
0x69: {  	_ =	shalt  }
0x6a: {  	_ =	shalt  }
0x6b: {  	_ =	shalt  }
0x6c: {  	_ =	shalt  }
0x6d: {  	_ =	shalt  }
0x6e: {  	_ =	shalt  }
0x6f: {  	_ =	shalt  }
0x70: {  	_ =	shalt  }
0x71: {  	_ =	shalt  }
0x72: {  	_ =	shalt  }
0x73: {  	_ =	shalt  }
0x74: {  	_ =	shalt  }
0x75: {  	_ =	shalt  }
0x76: {  	_ =	shalt  }
0x77: {  	_ =	shalt  }
0x78: {  	_ =	shalt  }
0x79: {  	_ =	shalt  }
0x7a: {  	_ =	shalt  }
0x7b: {  	_ =	shalt  }
0x7c: {  	_ =	shalt  }
0x7d: {  	_ =	shalt  }
0x7e: {  	_ =	shalt  }
0x7f: {  	_ =	shalt  }
0x80: {  	_ =	shalt  }
0x81: {  	_ =	shalt  }
0x82: {  	_ =	shalt  }
0x83: {  	_ =	shalt  }
0x84: {  	_ =	shalt  }
0x85: {  	_ =	shalt  }
0x86: {  	_ =	shalt  }
0x87: {  	_ =	shalt  }
.Lfunc_end0:
.L_simem_size_0:
called_computation_lowered:
.L_overlay_start_0:
0x88: {  	s2 =	sld [smem:$0x3FD9]  }
0x89: {  	s3 =	sld [smem:$0x3FFE];
	_ =	sdelay $0x1  }
0x8a: {  	s1 =	srdreg.scid  }
0x8b: {  	s0 =	sand.u32 $0x1, s1  }
0x8c: {  	s14 =	sshll.u32 s0, $0xA;
	s2 =	sadd.s32 s3, s2  }
0x8d: {  	s2 =	sadd.s32 s2, s14  }
0x8e: {  	[smem:$0x3FB7] =	sst s2  }
0x8f: {  	_ = 	snop  }
0x90: {  	s2 =	sld [smem:$0x3FD0];
	_ =	sdelay $0x2  }
0x91: {  	s15 =	simm.s32 $0xA;
	s4 =	simm.s32 $0x10  }
0x92: {  	[smem:s4], [sflag:s15] =	dma.local [hbm:s2], $0x1  }
0x93: {  	_ =	swait.eq [sflag:s15], $0x1  }
0x94: {  	[sflag:s15] =	ssyncset.done $0x0  }
0x95: {  	s16 =	sld [smem:$0x10];
	[sflag:s15] =	ssyncadd.s32 $0xFFFFFFFF  }
0x96: {  	s17 =	sld [smem:$0x11];
	(tm) =	ssettm $0x1  }
0x97: {  	s18 =	sld [smem:$0x3FFB];
	_ =	sdelay $0x3  }
0x98: {  	_ =	strace s18  }
0x99: {  	s4 =	sld [smem:$0x3FFC];
	_ =	sdelay $0x3  }
0x9a: {  	_ =	strace s4  }
0x9b: {  	s4 =	sld [smem:$0x3FFD];
	_ =	sdelay $0x3  }
0x9c: {  	_ =	strace s4  }
0x9d: {  	_ =	strace $0x8FFFFFFF  }
0x9e: {  	s19 =	sld [smem:$0x3FDB];
	_ =	sdelay $0x1  }
0x9f: {  	s5 =	simm.s32 $_scs_section_size  }
0xa0: {  	s6 =	simm.s32 $_size__tile_overlayer_lowered;
	s7 =	simm.s32 $_tile_overlayer_lowered  }
0xa1: {  	s22 =	simm.s32 $0x1BFF;
	s21 =	sshll.u32 s7, $0x1;
	s4 =	sadd.s32 s5, s19  }
0xa2: {  	s8 =	simm.s32 $0x0;
	s20 =	sshll.u32 s6, $0x1;
	s6 =	sadd.s32 s21, s4  }
0xa3: {  	[timem:s8], [sflag:s22] =	dma.local [hbm:s6], s20  }
0xa4: {  	_ =	swait.ge [sflag:s22], s20  }
0xa5: {  	s5 =	ssub.s32 $0x0, s20;
	[sflag:s22] =	ssyncset.done $0x0  }
0xa6: {  	[sflag:s22] =	ssyncadd.s32 s5;
	_ =	sdelay $0x1  }
0xa7: {  	s23 =	simm.s32 $0x1B8B  }
0xa8: {  	_ =	swait.ge [sflag:s23], $0x1  }
0xa9: {  	[sflag:s23] =	ssyncset.done $0x0  }
0xaa: {  	s25 =	simm.s32 $0x1B8E;
	s24 =	sld [smem:$0x3FFE];
	[sflag:s23] =	ssyncadd.s32 $0xFFFFFFFF  }
0xab: {  	s26 =	simm.s32 $execute0_lowered;
	[smem:$0x3FD2] =	sst s25  }
0xac: {  	s6 =	sshll.u32 s26, $0x1;
	_ =	strace $0x80000046;
	[dreg:$0x1] =	wrdreg $0xFFFFFFFF  }
0xad: {  	s28 =	simm.s32 $_size_execute0_lowered;
	s4 =	sadd.s32 s4, s6;
	[dreg:$0x0] =	wrdreg $0x0  }
0xae: {  	s6 =	sshll.u32 s28, $0x1;
	[dreg:$0x2] =	wrdreg s4  }
0xaf: {  	[dreg:$0x3] =	wrdreg s6  }
0xb0: {  	[dreg:$0x4] =	wrdreg $0xC0  }
0xb1: {  	_ =	task [dreg:s8], $0x5FFFF  }
0xb2: {  	[dreg:$0x1] =	wrdreg $0xFFFFFFFF  }
0xb3: {  	[dreg:$0x0] =	wrdreg $0x60  }
0xb4: {  	[dreg:$0x2] =	wrdreg s16  }
0xb5: {  	[dreg:$0x3] =	wrdreg s17  }
0xb6: {  	[dreg:$0x4] =	wrdreg s24  }
0xb7: {  	[dreg:$0x5] =	wrdreg $0x7A800  }
0xb8: {  	[dreg:$0x6] =	wrdreg $0x1B3000  }
0xb9: {  	[dreg:$0x7] =	wrdreg $0x9  }
0xba: {  	_ =	task.clear_ibuf [dreg:s8], $0x8FFFF;
	_ =	strace $0x90000046  }
0xbb: {  	s29 =	simm.s32 $0x9;
	_ =	strace $0x80000048  }
0xbc: {  	_ =	swait.ge [sflag:s29], $0x1  }
0xbd: {  	[sflag:s29] =	ssyncadd.s32 $0xFFFFFFFF  }
0xbe: {  	_ =	strace $0x90000048  }
0xbf: {  	_ =	sfence  }
0xc0: {  	s30 =	sld [smem:$0x0];
	_ =	sdelay $0x2  }
0xc1: {  	s31 =	sshll.u32 s1, $0xD;
	s1 =	sshrl.u32 s1, $0x2  }
0xc2: {  	s3 =	sand.u32 $0x4000, s31;
	s1 =	sadd.s32 s1, s30  }
0xc3: {  	s0 =	sor.u32 s3, s0;
	s1 =	sshll.u32 s1, $0x11  }
0xc4: {  	s0 =	sor.u32 s1, s0  }
0xc5: {  	s0 =	sadd.s32 $0x8F2B, s0  }
0xc6: {  	[sflag:s0] =	ssyncadd.remote.s32 $0x1  }
0xc7: {  	_ =	sfence.sel $0xFFFF  }
0xc8: {  	[dreg:$0x0] =	wrdreg $0xFFFFFFFF;
	(pc) =	sbr.abs _section_cstart, $3  }
0xc9: {  	[dreg:$0x1] =	wrdreg $0xFFFFFFFF  }
0xca: {  	_ =	task.clear_ibuf [dreg:s8], $0x2FFFF;
	_ =	strace $0x9FFFFFFF  }
0xcb: {  	(tm) =	ssettm $0x7FFFFFFF  }
tec
execute0_lowered:
.L_overlay_start_1:
0x0: {  	(tag) =	ssettag $0x1  }
0x1: {  	s0 =	rddreg [dreg:$0x2]  }
0x2: {  	s4 =	rddreg [dreg:$0x3]  }
0x3: {  	s5 =	rddreg [dreg:$0x4]  }
0x4: {  	s2 =	stileid.u32;
	s7 =	simm.s32 $0x0;
	v3 =	vimm.s32 $0xFEDCBA98;
	v7 =	vimm.s32 $0x76543210;
	v9 =	vimm.s32 $0x32107654;
	s17 =	srdreg.scid  }
0x5: {  	v10 =	vimm.s32 $0xDCFE98BA;
	v11 =	vimm.s32 $0x54761032;
	s28 =	simm.s32 $0x7980;
	s29 =	simm.s32 $0x3;
	s30 =	simm.s32 $0x4  }
0x6: {  	v0 =	vlaneseq.u32;
	v12 =	vimm.s32 $0xEFCDAB89;
	v13 =	vimm.s32 $0x67452301;
	s31 =	simm.s32 $0x28;
	s6 =	sshll.u32 s2, $0x4;
	s3 =	sor.u32 $0x40, s2  }
0x7: {  	vm0 =	vmmov $0x1;
	vm1 =	vcmask $0x320;
	vm2 =	vcmask $0x720;
	[smem:$0x7FF] =	sst s7;
	s13 =	sadd.s32 $0x503000, s0;
	s14 =	sadd.s32 $0x21000, s0  }
0x8: {  	vm3 =	vcmask $0xB20;
	vm4 =	vcmask $0xF20;
	vm5 =	vcmask $0x1320;
	s15 =	sadd.s32 $0x3600, s0;
	s16 =	sadd.s32 $0xD400, s0;
	s18 =	sadd.s32 $0x17200, s0  }
0x9: {  	vm6 =	vcmask $0x1720;
	vm7 =	vcmask $0x1B20;
	v16 =	vimm.s32 $0x4;
	s19 =	sadd.s32 $0x534000, s0;
	_ =	strace $0x80000047;
	[dreg:$0x6] =	wrdreg s13  }
0xa: {  	v17 =	vimm.s32 $0x5;
	v18 =	vimm.s32 $0x6;
	v19 =	vimm.s32 $0x7;
	s21 =	sshll.u32 s2, $0x1;
	s22 =	sshll.u32 s2, $0xB;
	[dreg:$0x7] =	wrdreg s14  }
0xb: {  	v6 =	vunpack.c.l.s4.s8 v3;
	v7 =	vunpack.c.l.s4.s8 v7;
	v9 =	vunpack.c.l.s4.s8 v9;
	s1 =	sor.u32 $0x100, s6;
	s11 =	sor.u32 $0x200, s6;
	[dreg:$0x8] =	wrdreg s15  }
0xc: {  	v10 =	vunpack.c.l.s4.s8 v10;
	v11 =	vunpack.c.l.s4.s8 v11;
	v12 =	vunpack.c.l.s4.s8 v12;
	s8 =	sor.u32 $0x300, s6;
	s3 =	smin.u32 s3, $0x4E;
	[dreg:$0x9] =	wrdreg s16  }
0xd: {  	v13 =	vunpack.c.l.s4.s8 v13;
	v1 =	vor.u32 s6, v0;
	[dreg:$0xa] =	wrdreg s18;
	s13 =	sadd.s32 $0x52A200, s0;
	v2 =	vor.u32 s1, v0;
	s1 =	sand.u32 $0x1, s17  }
0xe: {  	s18 =	simm.s32 $0x0;
	v3 =	vor.u32 s11, v0;
	v4 =	vor.u32 s8, v0;
	s12 =	sshll.u32 s3, $0x4;
	v8 =	vunpack.c.0.s8.s32 v6;
	s10 =	smul.u32 $0x138800, s1  }
0xf: {  	v6 =	vimm.s32 $0xBA98FEDC;
	v9 =	vunpack.c.0.s8.s32 v9;
	v10 =	vunpack.c.0.s8.s32 v10;
	s20 =	ssub.s32 $0x2, s1;
	s8 =	sor.u32 s1, s21;
	s15 =	smul.u32 $0x27800, s1  }
0x10: {  	v11 =	vunpack.c.0.s8.s32 v11;
	v12 =	vunpack.c.0.s8.s32 v12;
	v6 =	vunpack.c.l.s4.s8 v6;
	s21 =	simm.s32 $0x5180;
	s1 =	simm.s32 $0x0;
	s9 =	sshrl.u32 s20, $0x1  }
0x11: {  	v13 =	vunpack.c.0.s8.s32 v13;
	v15 =	vunpack.c.0.s8.s32 v7;
	v7 =	vor.u32 $0x2700, v0;
	s14 =	smul.u32 $0x2710, s8;
	s0 =	ssub.s32 s20, s9;
	s23 =	sshrl.u32 s10, $0x3  }
0x12: {  	v5 =	vor.u32 s12, v0;
	v8 =	vand.u32 $0xF, v8;
	v14 =	vunpack.c.0.s8.s32 v6;
	s8 =	sadd.s32 s22, s10;
	s20 =	simm.s32 $0x7A00;
	s22 =	simm.s32 $0x1  }
0x13: {  	v10 =	vcombine.low v11, v10;
	v11 =	vcombine.low v13, v12;
	v12 =	vimm.s32 $0x0;
	s0 =	smax.u32 s0, $0x1;
	s24 =	sadd.s32 s19, s23;
	s25 =	sshrl.u32 s8, $0x3  }
0x14: {  	v13 =	vimm.s32 $0x1;
	v6 =	vimm.f32 $0.0e+00;
	s23 =	simm.s32 $0x6580;
	v9 =	vcombine.low v9, v14;
	[dreg:$0xb] =	wrdreg s0;
	s0 =	sadd.s32 $0x27000, s24  }
0x15: {  	v8 =	vcombine.low v8, v15;
	v15 =	vimm.s32 $0x3;
	v10 =	vand.u32 $0xF, v10;
	s26 =	sadd.s32 s25, s19;
	s19 =	simm.s32 $0x10;
	[dreg:$0xc] =	wrdreg s0  }
0x16: {  	v11 =	vand.u32 $0xF, v11;
	s24 =	simm.s32 $0x2;
	v14 =	vimm.s32 $0x2;
	[dreg:$0xd] =	wrdreg s26;
	s26 =	simm.s32 $0x100;
	v9 =	vand.u32 $0xF, v9  }
.LBB2_1:
0x17: {  	[dreg:$0xe] =	wrdreg s1;
	s0 =	simm.s32 $0x0;
	s1 =	simm.s32 $0x200  }
.LBB2_2:
0x18: {  	p0 =	sne.s32 s1, $0x4E00;
	[tilespmem:s0+$0x65F0] =	vst v6  }
0x19: {  	[tilespmem:s0+$0x5180] =	vst v6  }
0x1a: {  	[tilespmem:s0+$0x6580] =	vst v6  }
0x1b: {  	[tilespmem:s0+$0x5190] =	vst v6  }
0x1c: {  	[tilespmem:s0+$0x6590] =	vst v6  }
0x1d: {  	[tilespmem:s0+$0x51A0] =	vst v6  }
0x1e: {  	[tilespmem:s0+$0x65A0] =	vst v6  }
0x1f: {  	[tilespmem:s0+$0x51B0] =	vst v6  }
0x20: {  	[tilespmem:s0+$0x65B0] =	vst v6  }
0x21: {  	[tilespmem:s0+$0x51C0] =	vst v6  }
0x22: {  	[tilespmem:s0+$0x65C0] =	vst v6  }
.Ltmp0:
0x23: {  	[tilespmem:s0+$0x51D0] =	vst v6;
	(pc) =	sbr.rel @p0 .LBB2_2-.Ltmp0, $4  }
0x24: {  	[tilespmem:s0+$0x65D0] =	vst v6  }
0x25: {  	[tilespmem:s0+$0x51E0] =	vst v6  }
0x26: {  	[tilespmem:s0+$0x65E0] =	vst v6  }
0x27: {  	[tilespmem:s0+$0x51F0] =	vst v6;
	s0 =	sshra.s32 s1, $0x2;
	s1 =	sadd.s32 $0x200, s1  }
0x28: {  	[tilespmem:s0+$0x65F0] =	vst v6  }
0x29: {  	[tilespmem:s0+$0x5180] =	vst v6  }
0x2a: {  	[tilespmem:s0+$0x6580] =	vst v6  }
0x2b: {  	[tilespmem:s0+$0x5190] =	vst v6  }
0x2c: {  	[tilespmem:s0+$0x6590] =	vst v6  }
0x2d: {  	[tilespmem:s0+$0x51A0] =	vst v6  }
0x2e: {  	[tilespmem:s0+$0x65A0] =	vst v6  }
0x2f: {  	[tilespmem:s0+$0x51B0] =	vst v6  }
0x30: {  	[tilespmem:s0+$0x65B0] =	vst v6  }
0x31: {  	[tilespmem:s0+$0x51C0] =	vst v6  }
0x32: {  	[tilespmem:s0+$0x65C0] =	vst v6  }
0x33: {  	[tilespmem:s0+$0x51D0] =	vst v6  }
0x34: {  	[tilespmem:s0+$0x65D0] =	vst v6  }
0x35: {  	[tilespmem:s0+$0x51E0] =	vst v6  }
0x36: {  	[tilespmem:s0+$0x65E0] =	vst v6;
	s1 =	sadd.s32 $0x0, s6  }
0x37: {  	[tilespmem:s0+$0x51F0] =	vst v6;
	v20 =	vor.u32 s1, v0  }
0x38: {  	[tilespmem:$0x7A00] =	vst v20  }
0x39: {  	[spmem:s4] =	stream.indirect.scatter [tilespmem:s21], [sflag:$0x1], $0x80, s20, s19, $0xb8;
	[tilespmem:$0x1DA80] =	vst v63  }
0x3a: {  	s0 =	simm.s32 $0x100;
	_ =	swait.ge [sflag:s22], $0x800  }
.LBB2_4:
0x3b: {  	s1 =	sadd.s32 s0, s6;
	[sflag:s22] =	ssyncset.done $0x0;
	p0 =	sne.s32 s0, $0x2600  }
.Ltmp1:
0x3c: {  	v20 =	vor.u32 s1, v0;
	[sflag:s22] =	ssyncadd.s32 $0xFFFFF800;
	(pc) =	sbr.rel @p0 .LBB2_4-.Ltmp1, $4  }
0x3d: {  	[tilespmem:$0x7A00] =	vst v20  }
0x3e: {  	s0 =	sadd.s32 $0x100, s0  }
0x3f: {  	[spmem:s4] =	stream.indirect.scatter [tilespmem:s21], [sflag:$0x1], $0x80, s20, s19, $0xb8;
	[tilespmem:$0x1DA80] =	vst v63  }
0x40: {  	_ =	swait.ge [sflag:s22], $0x800  }
0x41: {  	[sflag:s22] =	ssyncset.done $0x0  }
0x42: {  	[sflag:s22] =	ssyncadd.s32 $0xFFFFF800  }
0x43: {  	[tilespmem:$0x7A00] =	vst v7  }
0x44: {  	[spmem:s4] =	stream.indirect.scatter [tilespmem:s21], [sflag:$0x1], $0x80, s20, s19, $0xb8;
	[tilespmem:$0x1DA80] =	vst v63  }
0x45: {  	_ =	swait.ge [sflag:s22], $0x800  }
0x46: {  	[sflag:s22] =	ssyncset.done $0x0  }
0x47: {  	[sflag:s22] =	ssyncadd.s32 $0xFFFFF800  }
0x48: {  	[tilespmem:$0x7A00] =	vst v1  }
0x49: {  	[spmem:s5] =	stream.indirect.scatter [tilespmem:s23], [sflag:$0x2], $0x80, s20, s19, $0xb8;
	[tilespmem:$0x1DA80] =	vst v63  }
0x4a: {  	_ =	swait.ge [sflag:s24], $0x800  }
0x4b: {  	[sflag:s24] =	ssyncset.done $0x0  }
0x4c: {  	[sflag:s24] =	ssyncadd.s32 $0xFFFFF800  }
0x4d: {  	[tilespmem:$0x7A00] =	vst v2  }
0x4e: {  	[spmem:s5] =	stream.indirect.scatter [tilespmem:s23], [sflag:$0x2], $0x80, s20, s19, $0xb8;
	[tilespmem:$0x1DA80] =	vst v63  }
0x4f: {  	_ =	swait.ge [sflag:s24], $0x800  }
0x50: {  	[sflag:s24] =	ssyncset.done $0x0  }
0x51: {  	[sflag:s24] =	ssyncadd.s32 $0xFFFFF800  }
0x52: {  	[tilespmem:$0x7A00] =	vst v3  }
0x53: {  	[spmem:s5] =	stream.indirect.scatter [tilespmem:s23], [sflag:$0x2], $0x80, s20, s19, $0xb8;
	[tilespmem:$0x1DA80] =	vst v63  }
0x54: {  	_ =	swait.ge [sflag:s24], $0x800  }
0x55: {  	[sflag:s24] =	ssyncset.done $0x0  }
0x56: {  	[sflag:s24] =	ssyncadd.s32 $0xFFFFF800  }
0x57: {  	[tilespmem:$0x7A00] =	vst v4  }
0x58: {  	[spmem:s5] =	stream.indirect.scatter [tilespmem:s23], [sflag:$0x2], $0x80, s20, s19, $0xb8;
	[tilespmem:$0x1DA80] =	vst v63  }
0x59: {  	_ =	swait.ge [sflag:s24], $0x800  }
0x5a: {  	[sflag:s24] =	ssyncset.done $0x0  }
0x5b: {  	[sflag:s24] =	ssyncadd.s32 $0xFFFFF800  }
0x5c: {  	[tilespmem:$0x7A00] =	vst v5  }
0x5d: {  	[spmem:s5] =	stream.indirect.scatter [tilespmem:s23], [sflag:$0x2], $0x80, s20, s19, $0xb8;
	[tilespmem:$0x1DA80] =	vst v63  }
0x5e: {  	_ =	swait.ge [sflag:s24], $0x800  }
0x5f: {  	[sflag:s24] =	ssyncset.done $0x0  }
0x60: {  	[sflag:s24] =	ssyncadd.s32 $0xFFFFF800  }
0x61: {  	s1 =	simm.s32 $0x0;
	[bflag:$0x0] =	sbarrier.arrive $0xFFFF  }
.LBB2_6:
0x62: {  	s0 =	smul.u32 $0x28, s1;
	_ =	sdelay $0x1  }
0x63: {  	s0 =	sadd.s32 s14, s0  }
0x64: {  	s8 =	rddreg [dreg:$0x8];
	s3 =	sshrl.u32 s0, $0x3  }
0x65: {  	s10 =	rddreg [dreg:$0x9];
	s8 =	sadd.s32 s8, s3  }
0x66: {  	[tilespmem:s18], [sflag:$0x1] =	stream.linear.gather [hbm4b:s8+s18], $0x28, $0x38;
	[tilespmem:$0x1DA80] =	vst v63  }
0x67: {  	s9 =	simm.s32 $0x80;
	s8 =	sadd.s32 s10, s3  }
0x68: {  	[tilespmem:s9], [sflag:$0x2] =	stream.linear.gather [hbm4b:s8+s18], $0x28, $0x38;
	[tilespmem:$0x1DA80] =	vst v63  }
0x69: {  	s11 =	rddreg [dreg:$0xa]  }
0x6a: {  	[tilespmem:s26], [sflag:$0x3] =	stream.linear.gather [hbm4b:s8+s18], $0x28, $0x38;
	[tilespmem:$0x1DA80] =	vst v63  }
0x6b: {  	s3 =	sadd.s32 s11, s3  }
0x6c: {  	[tilespmem:s28], [sflag:$0x4] =	stream.linear.gather [hbm4b:s3+s18], $0x28, $0x38;
	[tilespmem:$0x1DA80] =	vst v63  }
0x6d: {  	_ =	swait.ge [sflag:s22], $0x28  }
0x6e: {  	[sflag:s22] =	ssyncset.done $0x0  }
0x6f: {  	[sflag:s22] =	ssyncadd.s32 $0xFFFFFFD8  }
0x70: {  	_ =	swait.ge [sflag:s24], $0x28  }
0x71: {  	[sflag:s24] =	ssyncset.done $0x0  }
0x72: {  	[sflag:s24] =	ssyncadd.s32 $0xFFFFFFD8  }
0x73: {  	_ =	swait.ge [sflag:s29], $0x28  }
0x74: {  	[sflag:s29] =	ssyncset.done $0x0  }
0x75: {  	[sflag:s29] =	ssyncadd.s32 $0xFFFFFFD8  }
0x76: {  	_ =	swait.ge [sflag:s30], $0x28  }
0x77: {  	[sflag:s30] =	ssyncset.done $0x0  }
0x78: {  	s17 =	rddreg [dreg:$0x6];
	[sflag:s30] =	ssyncadd.s32 $0xFFFFFFD8  }
0x79: {  	s16 =	simm.s32 $0x180;
	s12 =	rddreg [dreg:$0x1]  }
0x7a: {  	[tilespmem:s16], [sflag:$0x1] =	stream.indirect.gather [hbm4b:s12+s31], $0x80, s18, s31, $0xb8;
	[tilespmem:$0x1DA80] =	vst v63  }
0x7b: {  	s25 =	simm.s32 $0x2980;
	s11 =	rddreg [dreg:$0x7]  }
0x7c: {  	[tilespmem:s25], [sflag:$0x2] =	stream.indirect.gather [hbm4b:s17+s31], $0x80, s18, s31, $0xb8;
	[tilespmem:$0x1DA80] =	vst v63  }
0x7d: {  	s0 =	sshll.u32 s0, $0x4;
	s10 =	simm.s32 $0x1580;
	s9 =	rddreg [dreg:$0x0]  }
0x7e: {  	[tilespmem:s10], [sflag:$0x3] =	stream.indirect.gather [hbm4b:s9+s31], $0x80, s26, s31, $0xb8;
	[tilespmem:$0x1DA80] =	vst v63  }
0x7f: {  	s3 =	simm.s32 $0x3D80;
	s0 =	sadd.s32 s11, s0  }
0x80: {  	[tilespmem:s3], [sflag:$0x4] =	stream.linear.gather [hbm4b:s0+s18], $0x1400, $0x38;
	[tilespmem:$0x1DA80] =	vst v63  }
0x81: {  	_ =	swait.ge [sflag:s22], $0x1400  }
0x82: {  	[sflag:s22] =	ssyncset.done $0x0  }
0x83: {  	[sflag:s22] =	ssyncadd.s32 $0xFFFFEC00  }
0x84: {  	_ =	swait.ge [sflag:s24], $0x1400  }
0x85: {  	[sflag:s24] =	ssyncset.done $0x0  }
0x86: {  	[sflag:s24] =	ssyncadd.s32 $0xFFFFEC00  }
0x87: {  	_ =	swait.ge [sflag:s29], $0x1400  }
0x88: {  	[sflag:s29] =	ssyncset.done $0x0  }
0x89: {  	[sflag:s29] =	ssyncadd.s32 $0xFFFFEC00  }
0x8a: {  	_ =	swait.ge [sflag:s30], $0x1400  }
0x8b: {  	[sflag:s30] =	ssyncset.done $0x0  }
0x8c: {  	s25 =	simm.s32 $0x15C0;
	[sflag:s30] =	ssyncadd.s32 $0xFFFFEC00  }
0x8d: {  	s12 =	simm.s32 $0x1C0;
	v20 =	vld [tilespmem:s25+$0xFFFFFFD0]  }
0x8e: {  	v23 =	vld [tilespmem:s12+$0x0]  }
0x8f: {  	v24 =	vld [tilespmem:s25+$0xFFFFFFF0]  }
0x90: {  	v21 =	vld [tilespmem:s3+$0x0]  }
0x91: {  	v25 =	vld [tilespmem:s25+$0x0]  }
0x92: {  	v26 =	vld [tilespmem:s12+$0xFFFFFFF0]  }
0x93: {  	v27 =	vld [tilespmem:s12+$0x30]  }
0x94: {  	v28 =	vld [tilespmem:s12+$0xFFFFFFC0]  }
0x95: {  	v29 =	vld [tilespmem:s12+$0xFFFFFFD0]  }
0x96: {  	v31 =	vld [tilespmem:s25+$0x30]  }
0x97: {  	v33 =	vld [tilespmem:s12+$0x10]  }
0x98: {  	v60 =	vld [tilespmem:s12+$0x20]  }
0x99: {  	v34 =	vld [tilespmem:s25+$0x10]  }
0x9a: {  	v61 =	vld [tilespmem:s25+$0x20];
	v26 =	vadd.f32 v26, v21  }
0x9b: {  	v22 =	vld [tilespmem:s25+$0xFFFFFFC0];
	v27 =	vadd.f32 v27, v21;
	v59 =	vadd.f32 v29, v21  }
0x9c: {  	v30 =	vld [tilespmem:s12+$0xFFFFFFE0];
	v23 =	vadd.f32 v23, v21;
	v36 =	vadd.f32 v33, v21;
	v24 =	vmul.f32 v24, v26  }
0x9d: {  	v29 =	vadd.f32 v60, v21;
	v20 =	vmul.f32 v20, v59;
	v27 =	vmul.f32 v31, v27  }
0x9e: {  	v32 =	vld [tilespmem:s25+$0xFFFFFFE0];
	v26 =	vadd.f32 v28, v21;
	v23 =	vmul.f32 v25, v23;
	v25 =	vmul.f32 v34, v36  }
0x9f: {  	v28 =	vmul.f32 v61, v29;
	v35 =	vperm.xlane v24, v8  }
0xa0: {  	v22 =	vmul.f32 v22, v26;
	v63 =	vperm.xlane v20, v8  }
0xa1: {  	v26 =	vadd.f32 v30, v21;
	v37 =	vperm.xlane v27, v8;
	v41 =	vperm.xlane v23, v8  }
0xa2: {  	v43 =	vperm.xlane v28, v8;
	v62 =	vperm.xlane v22, v8;
	v20 =	vadd.f32 v63, v20  }
0xa3: {  	v26 =	vmul.f32 v32, v26;
	v24 =	vadd.f32 v35, v24;
	v27 =	vadd.f32 v37, v27  }
0xa4: {  	v44 =	vperm.xlane v25, v8;
	v23 =	vadd.f32 v41, v23;
	v22 =	vadd.f32 v62, v22  }
0xa5: {  	v28 =	vadd.f32 v43, v28;
	v38 =	vperm.xlane v26, v8;
	v40 =	vperm.xlane v20, v9  }
0xa6: {  	v25 =	vadd.f32 v44, v25;
	v47 =	vperm.xlane v23, v9;
	v39 =	vperm.xlane v22, v9  }
0xa7: {  	v49 =	vperm.xlane v24, v9;
	v50 =	vperm.xlane v28, v9;
	v26 =	vadd.f32 v38, v26  }
0xa8: {  	v52 =	vperm.xlane v25, v9;
	v55 =	vperm.xlane v27, v9;
	v22 =	vadd.f32 v39, v22  }
0xa9: {  	v20 =	vadd.f32 v40, v20;
	v23 =	vadd.f32 v47, v23;
	v42 =	vperm.xlane v26, v9  }
0xaa: {  	v24 =	vadd.f32 v49, v24;
	v28 =	vadd.f32 v50, v28;
	v45 =	vperm.xlane v22, v10  }
0xab: {  	v25 =	vadd.f32 v52, v25;
	v46 =	vperm.xlane v20, v10;
	v26 =	vadd.f32 v42, v26  }
0xac: {  	v56 =	vperm.xlane v24, v10;
	v57 =	vperm.xlane v28, v10;
	v22 =	vadd.f32 v45, v22  }
0xad: {  	v58 =	vperm.xlane v23, v10;
	v20 =	vadd.f32 v46, v20;
	v48 =	vperm.xlane v26, v10  }
0xae: {  	v27 =	vadd.f32 v55, v27;
	v59 =	vperm.xlane v25, v10;
	v51 =	vperm.xlane v22, v11  }
0xaf: {  	v24 =	vadd.f32 v56, v24;
	v53 =	vperm.xlane v20, v11;
	v26 =	vadd.f32 v48, v26  }
0xb0: {  	v61 =	vperm.xlane v27, v10;
	v23 =	vadd.f32 v58, v23;
	v22 =	vadd.f32 v51, v22  }
0xb1: {  	v25 =	vadd.f32 v59, v25;
	v20 =	vadd.f32 v53, v20;
	v54 =	vperm.xlane v26, v11  }
0xb2: {  	v60 =	vperm.xlane v24, v11;
	v62 =	vperm.xlane v23, v11;
	v22 =	vnsel vm0, $0x0, v22  }
0xb3: {  	v26 =	vadd.f32 v54, v26;
	v20 =	vsel vm1, v22, v20;
	v22 =	vadd.f32 v57, v28  }
0xb4: {  	v27 =	vadd.f32 v61, v27;
	v63 =	vperm.xlane v25, v11;
	v24 =	vadd.f32 v60, v24  }
0xb5: {  	v23 =	vadd.f32 v62, v23;
	v20 =	vsel vm2, v20, v26;
	v26 =	vperm.xlane v22, v11  }
0xb6: {  	v25 =	vadd.f32 v63, v25;
	v20 =	vsel vm3, v20, v24;
	v24 =	vperm.xlane v27, v11  }
0xb7: {  	v20 =	vsel vm4, v20, v23;
	v22 =	vadd.f32 v26, v22  }
0xb8: {  	v23 =	vadd.f32 v24, v27;
	v20 =	vsel vm5, v20, v25  }
0xb9: {  	v20 =	vsel vm6, v20, v22  }
0xba: {  	v20 =	vsel vm7, v20, v23  }
0xbb: {  	v20 =	vmul.f32 $2.500000000e-01, v20;
	_ =	sdelay $0x1  }
0xbc: {  	v20 =	vmax.f32 v20, $-5.000000000e+00  }
0xbd: {  	v20 =	vmin.f32 v20, $5.000000000e+00  }
0xbe: {  	v20 =	vmul.f32 $1.442695020e+00, v20;
	_ =	sdelay $0x1  }
0xbf: {  	(erf) = vpow2.f32 v20;
	_ =	sdelay $0x3  }
0xc0: {  	s0 =	simm.s32 $0x29C0  }
0xc1: {  	v22 =	vld [tilespmem:s0+$0xFFFFFFC0];
	_ =	sdelay $0x3  }
0xc2: {  	v20 =	vpop (erf)  }
0xc3: {  	v22 =	vadd.f32 v22, v21;
	v23 =	vperm.xlane v20, v12;
	_ =	sdelay $0x1  }
0xc4: {  	v22 =	vmul.f32 v22, v23  }
0xc5: {  	s16 =	simm.s32 $0x51C0  }
0xc6: {  	[tilespmem:s16+$0xFFFFFFC0] =	vst v22  }
0xc7: {  	v22 =	vld [tilespmem:s0+$0xFFFFFFD0];
	_ =	sdelay $0x4  }
0xc8: {  	v23 =	vperm.xlane v20, v13;
	v22 =	vadd.f32 v22, v21;
	_ =	sdelay $0x1  }
0xc9: {  	v22 =	vmul.f32 v22, v23;
	_ =	sdelay $0x1  }
0xca: {  	[tilespmem:s16+$0xFFFFFFD0] =	vst v22  }
0xcb: {  	v22 =	vld [tilespmem:s0+$0xFFFFFFE0];
	_ =	sdelay $0x4  }
0xcc: {  	v23 =	vperm.xlane v20, v14;
	v22 =	vadd.f32 v22, v21;
	_ =	sdelay $0x1  }
0xcd: {  	v22 =	vmul.f32 v22, v23;
	_ =	sdelay $0x1  }
0xce: {  	[tilespmem:s16+$0xFFFFFFE0] =	vst v22  }
0xcf: {  	v22 =	vld [tilespmem:s0+$0xFFFFFFF0];
	_ =	sdelay $0x4  }
0xd0: {  	v23 =	vperm.xlane v20, v15;
	v22 =	vadd.f32 v22, v21;
	_ =	sdelay $0x1  }
0xd1: {  	v22 =	vmul.f32 v22, v23;
	_ =	sdelay $0x1  }
0xd2: {  	[tilespmem:s16+$0xFFFFFFF0] =	vst v22  }
0xd3: {  	v22 =	vld [tilespmem:s0+$0x0];
	_ =	sdelay $0x4  }
0xd4: {  	v23 =	vperm.xlane v20, v16;
	v22 =	vadd.f32 v22, v21;
	_ =	sdelay $0x1  }
0xd5: {  	v22 =	vmul.f32 v22, v23;
	_ =	sdelay $0x1  }
0xd6: {  	[tilespmem:s16+$0x0] =	vst v22  }
0xd7: {  	v22 =	vld [tilespmem:s0+$0x10];
	_ =	sdelay $0x4  }
0xd8: {  	v23 =	vperm.xlane v20, v17;
	v22 =	vadd.f32 v22, v21;
	_ =	sdelay $0x1  }
0xd9: {  	v22 =	vmul.f32 v22, v23;
	_ =	sdelay $0x1  }
0xda: {  	[tilespmem:s16+$0x10] =	vst v22  }
0xdb: {  	v22 =	vld [tilespmem:s0+$0x20];
	_ =	sdelay $0x4  }
0xdc: {  	v23 =	vperm.xlane v20, v18;
	v22 =	vadd.f32 v22, v21;
	_ =	sdelay $0x1  }
0xdd: {  	v22 =	vmul.f32 v22, v23;
	_ =	sdelay $0x1  }
0xde: {  	[tilespmem:s16+$0x20] =	vst v22  }
0xdf: {  	v22 =	vld [tilespmem:s0+$0x30];
	_ =	sdelay $0x4  }
0xe0: {  	v23 =	vperm.xlane v20, v19;
	v21 =	vadd.f32 v22, v21;
	_ =	sdelay $0x1  }
0xe1: {  	v21 =	vmul.f32 v21, v23;
	_ =	sdelay $0x1  }
0xe2: {  	s17 =	sand.u32 $0x30, s18;
	[tilespmem:s16+$0x30] =	vst v21  }
0xe3: {  	v21 =	vld [tilespmem:s17+$0x80];
	_ =	sdelay $0x4  }
0xe4: {  	v22 =	vmov s18;
	v21 =	vand.u32 $0x7, v21  }
0xe5: {  	v21 =	vperm.xlane v21, v22;
	_ =	sdelay $0x1  }
0xe6: {  	v23 =	vcvt.s32.f32 v21  }
0xe7: {  	s8 =	simm.s32 $0x5240;
	s9 =	simm.s32 $0x6640  }
0xe8: {  	s10 =	simm.s32 $0x240;
	s16 =	simm.s32 $0x65C0;
	s17 =	simm.s32 $0x1;
	v21 =	vmul.f32 v23, v23;
	v24 =	vadd.f32 $-1.000000000e+00, v23;
	v22 =	vadd.f32 $-2.000000000e+00, v23  }
.LBB2_7:
0xe9: {  	v25 =	vadd.f32 $-3.000000000e+00, v23;
	v26 =	vadd.f32 $-4.000000000e+00, v23;
	s3 =	sadd.s32 $0x80, s3;
	s25 =	sadd.s32 $0x80, s25;
	s0 =	sadd.s32 $0x80, s0  }
0xea: {  	p0 =	sne.s32 s17, $0x27;
	v27 =	vadd.f32 $-5.000000000e+00, v23;
	v28 =	vadd.f32 $-6.000000000e+00, v23;
	s11 =	smov.u32 s17;
	s17 =	sadd.s32 $0x1, s17;
	v24 =	vmul.f32 v24, v24  }
0xeb: {  	v23 =	vadd.f32 $-7.000000000e+00, v23;
	v25 =	vmul.f32 v25, v25;
	v26 =	vmul.f32 v26, v26  }
0xec: {  	v27 =	vmul.f32 v27, v27;
	v28 =	vmul.f32 v28, v28;
	v24 =	vsub.f32 $1.000000000e+00, v24  }
0xed: {  	v23 =	vmul.f32 v23, v23;
	v25 =	vsub.f32 $1.000000000e+00, v25;
	v26 =	vsub.f32 $1.000000000e+00, v26  }
0xee: {  	v22 =	vmul.f32 v22, v22;
	v27 =	vsub.f32 $1.000000000e+00, v27;
	v28 =	vsub.f32 $1.000000000e+00, v28  }
0xef: {  	v23 =	vsub.f32 $1.000000000e+00, v23;
	v25 =	vmax.f32 v25, $0.0e+00;
	v26 =	vmax.f32 v26, $0.0e+00  }
0xf0: {  	v27 =	vmax.f32 v27, $0.0e+00;
	v28 =	vmax.f32 v28, $0.0e+00;
	v25 =	vmul.f32 v25, v20  }
0xf1: {  	v23 =	vmax.f32 v23, $0.0e+00;
	v27 =	vmul.f32 v27, v20;
	v28 =	vmul.f32 v28, v20  }
0xf2: {  	v22 =	vsub.f32 $1.000000000e+00, v22;
	v24 =	vmax.f32 v24, $0.0e+00;
	v23 =	vmul.f32 v23, v20;
	[tilespmem:s16+$0xFFFFFFF0] =	vst v25  }
0xf3: {  	v21 =	vsub.f32 $1.000000000e+00, v21;
	v24 =	vmul.f32 v24, v20;
	[tilespmem:s16+$0x20] =	vst v28  }
0xf4: {  	v22 =	vmax.f32 v22, $0.0e+00;
	[tilespmem:s16+$0x30] =	vst v23  }
0xf5: {  	v21 =	vmax.f32 v21, $0.0e+00;
	v22 =	vmul.f32 v22, v20;
	[tilespmem:s16+$0x10] =	vst v27  }
0xf6: {  	v21 =	vmul.f32 v21, v20;
	v20 =	vmul.f32 v26, v20;
	[tilespmem:s16+$0xFFFFFFD0] =	vst v24  }
0xf7: {  	[tilespmem:s16+$0xFFFFFFE0] =	vst v22  }
0xf8: {  	[tilespmem:s16+$0x0] =	vst v20  }
0xf9: {  	[tilespmem:s16+$0xFFFFFFC0] =	vst v21;
	s16 =	smov.u32 s9  }
0xfa: {  	v20 =	vld [tilespmem:s25+$0xFFFFFFD0]  }
0xfb: {  	v22 =	vld [tilespmem:s25+$0xFFFFFFC0]  }
0xfc: {  	v23 =	vld [tilespmem:s10+$0x0]  }
0xfd: {  	v24 =	vld [tilespmem:s25+$0xFFFFFFF0]  }
0xfe: {  	v21 =	vld [tilespmem:s3+$0x0]  }
0xff: {  	v25 =	vld [tilespmem:s25+$0x0]  }
0x100: {  	v26 =	vld [tilespmem:s10+$0xFFFFFFF0]  }
0x101: {  	v27 =	vld [tilespmem:s10+$0x30]  }
0x102: {  	v28 =	vld [tilespmem:s10+$0xFFFFFFC0]  }
0x103: {  	v29 =	vld [tilespmem:s10+$0xFFFFFFD0]  }
0x104: {  	v30 =	vld [tilespmem:s10+$0xFFFFFFE0]  }
0x105: {  	v26 =	vadd.f32 v26, v21;
	v31 =	vld [tilespmem:s10+$0x10]  }
0x106: {  	v32 =	vld [tilespmem:s25+$0x30]  }
0x107: {  	v33 =	vld [tilespmem:s25+$0xFFFFFFE0];
	v24 =	vmul.f32 v24, v26  }
0x108: {  	v27 =	vadd.f32 v27, v21;
	v26 =	vadd.f32 v28, v21;
	v28 =	vld [tilespmem:s25+$0x10]  }
0x109: {  	v23 =	vadd.f32 v23, v21;
	v29 =	vadd.f32 v29, v21;
	v34 =	vperm.xlane v24, v8;
	v35 =	vld [tilespmem:s10+$0x20]  }
0x10a: {  	v22 =	vmul.f32 v22, v26;
	v26 =	vadd.f32 v30, v21  }
0x10b: {  	v20 =	vmul.f32 v20, v29;
	v24 =	vadd.f32 v34, v24;
	v29 =	vld [tilespmem:s25+$0x20];
	v27 =	vmul.f32 v32, v27  }
0x10c: {  	v30 =	vperm.xlane v22, v8;
	v26 =	vmul.f32 v33, v26  }
0x10d: {  	v31 =	vadd.f32 v31, v21;
	v32 =	vperm.xlane v20, v8;
	v33 =	vperm.xlane v27, v8  }
0x10e: {  	v22 =	vadd.f32 v30, v22;
	v30 =	vperm.xlane v26, v8;
	v34 =	vadd.f32 v35, v21  }
0x10f: {  	v23 =	vmul.f32 v25, v23;
	v25 =	vmul.f32 v28, v31;
	v20 =	vadd.f32 v32, v20  }
0x110: {  	v28 =	vperm.xlane v22, v9;
	v26 =	vadd.f32 v30, v26;
	v29 =	vmul.f32 v29, v34  }
0x111: {  	v31 =	vperm.xlane v23, v8;
	v27 =	vadd.f32 v33, v27;
	v30 =	vperm.xlane v20, v9  }
0x112: {  	v22 =	vadd.f32 v28, v22;
	v28 =	vperm.xlane v26, v9;
	v32 =	vperm.xlane v29, v8  }
0x113: {  	v23 =	vadd.f32 v31, v23;
	v20 =	vadd.f32 v30, v20;
	v30 =	vperm.xlane v25, v8  }
0x114: {  	v31 =	vperm.xlane v22, v10;
	v26 =	vadd.f32 v28, v26;
	v28 =	vadd.f32 v32, v29  }
0x115: {  	v29 =	vperm.xlane v20, v10;
	v32 =	vperm.xlane v23, v9;
	v25 =	vadd.f32 v30, v25  }
0x116: {  	v22 =	vadd.f32 v31, v22;
	v31 =	vperm.xlane v24, v9;
	v30 =	vperm.xlane v26, v10  }
0x117: {  	v20 =	vadd.f32 v29, v20;
	v23 =	vadd.f32 v32, v23;
	v29 =	vperm.xlane v28, v9  }
0x118: {  	v32 =	vperm.xlane v22, v11;
	v26 =	vadd.f32 v30, v26;
	v30 =	vperm.xlane v25, v9  }
0x119: {  	v24 =	vadd.f32 v31, v24;
	v33 =	vperm.xlane v20, v11;
	v28 =	vadd.f32 v29, v28  }
0x11a: {  	v22 =	vadd.f32 v32, v22;
	v29 =	vperm.xlane v26, v11;
	v25 =	vadd.f32 v30, v25  }
0x11b: {  	v31 =	vperm.xlane v27, v9;
	v20 =	vadd.f32 v33, v20;
	v30 =	vperm.xlane v28, v10  }
0x11c: {  	v22 =	vnsel vm0, $0x0, v22;
	v26 =	vadd.f32 v29, v26;
	v29 =	vperm.xlane v24, v10  }
0x11d: {  	v20 =	vsel vm1, v22, v20;
	v22 =	vperm.xlane v25, v10;
	v28 =	vadd.f32 v30, v28  }
0x11e: {  	v20 =	vsel vm2, v20, v26;
	v24 =	vadd.f32 v29, v24;
	v26 =	vadd.f32 v31, v27  }
0x11f: {  	v27 =	vperm.xlane v23, v10;
	v22 =	vadd.f32 v22, v25;
	v25 =	vperm.xlane v28, v11  }
0x120: {  	v29 =	vperm.xlane v24, v11;
	v30 =	vperm.xlane v26, v10  }
0x121: {  	v23 =	vadd.f32 v27, v23;
	v27 =	vperm.xlane v22, v11;
	v25 =	vadd.f32 v25, v28  }
0x122: {  	v24 =	vadd.f32 v29, v24;
	v26 =	vadd.f32 v30, v26  }
0x123: {  	v28 =	vperm.xlane v23, v11;
	v22 =	vadd.f32 v27, v22  }
0x124: {  	v20 =	vsel vm3, v20, v24;
	v24 =	vperm.xlane v26, v11  }
0x125: {  	v23 =	vadd.f32 v28, v23  }
0x126: {  	v24 =	vadd.f32 v24, v26  }
0x127: {  	v20 =	vsel vm4, v20, v23  }
0x128: {  	v20 =	vsel vm5, v20, v22  }
0x129: {  	v20 =	vsel vm6, v20, v25  }
0x12a: {  	v20 =	vsel vm7, v20, v24  }
0x12b: {  	v20 =	vmul.f32 $2.500000000e-01, v20;
	_ =	sdelay $0x1  }
0x12c: {  	v20 =	vmax.f32 v20, $-5.000000000e+00  }
0x12d: {  	v20 =	vmin.f32 v20, $5.000000000e+00  }
0x12e: {  	v20 =	vmul.f32 $1.442695020e+00, v20;
	_ =	sdelay $0x1  }
0x12f: {  	(erf) = vpow2.f32 v20;
	_ =	sdelay $0x4  }
0x130: {  	v22 =	vld [tilespmem:s0+$0xFFFFFFC0];
	_ =	sdelay $0x3  }
0x131: {  	v20 =	vpop (erf)  }
0x132: {  	v23 =	vperm.xlane v20, v12;
	v22 =	vadd.f32 v22, v21;
	_ =	sdelay $0x1  }
0x133: {  	v22 =	vmul.f32 v22, v23;
	_ =	sdelay $0x1  }
0x134: {  	[tilespmem:s8+$0xFFFFFFC0] =	vst v22  }
0x135: {  	v22 =	vld [tilespmem:s0+$0xFFFFFFD0];
	_ =	sdelay $0x4  }
0x136: {  	v23 =	vperm.xlane v20, v13;
	v22 =	vadd.f32 v22, v21;
	_ =	sdelay $0x1  }
0x137: {  	v22 =	vmul.f32 v22, v23;
	_ =	sdelay $0x1  }
0x138: {  	[tilespmem:s8+$0xFFFFFFD0] =	vst v22  }
0x139: {  	v22 =	vld [tilespmem:s0+$0xFFFFFFE0];
	_ =	sdelay $0x4  }
0x13a: {  	v23 =	vperm.xlane v20, v14;
	v22 =	vadd.f32 v22, v21;
	_ =	sdelay $0x1  }
0x13b: {  	v22 =	vmul.f32 v22, v23;
	_ =	sdelay $0x1  }
0x13c: {  	[tilespmem:s8+$0xFFFFFFE0] =	vst v22  }
0x13d: {  	v22 =	vld [tilespmem:s0+$0xFFFFFFF0];
	_ =	sdelay $0x4  }
0x13e: {  	v23 =	vperm.xlane v20, v15;
	v22 =	vadd.f32 v22, v21;
	_ =	sdelay $0x1  }
0x13f: {  	v22 =	vmul.f32 v22, v23;
	_ =	sdelay $0x1  }
0x140: {  	[tilespmem:s8+$0xFFFFFFF0] =	vst v22  }
0x141: {  	v22 =	vld [tilespmem:s0+$0x0];
	_ =	sdelay $0x4  }
0x142: {  	v23 =	vperm.xlane v20, v16;
	v22 =	vadd.f32 v22, v21;
	_ =	sdelay $0x1  }
0x143: {  	v22 =	vmul.f32 v22, v23;
	_ =	sdelay $0x1  }
0x144: {  	[tilespmem:s8+$0x0] =	vst v22  }
0x145: {  	v22 =	vld [tilespmem:s0+$0x10];
	_ =	sdelay $0x4  }
0x146: {  	v23 =	vperm.xlane v20, v17;
	v22 =	vadd.f32 v22, v21;
	_ =	sdelay $0x1  }
0x147: {  	v22 =	vmul.f32 v22, v23;
	_ =	sdelay $0x1  }
0x148: {  	[tilespmem:s8+$0x10] =	vst v22  }
0x149: {  	v22 =	vld [tilespmem:s0+$0x20];
	_ =	sdelay $0x4  }
0x14a: {  	v23 =	vperm.xlane v20, v18;
	v22 =	vadd.f32 v22, v21;
	_ =	sdelay $0x1  }
0x14b: {  	v22 =	vmul.f32 v22, v23;
	_ =	sdelay $0x1  }
0x14c: {  	[tilespmem:s8+$0x20] =	vst v22  }
0x14d: {  	v22 =	vld [tilespmem:s0+$0x30];
	_ =	sdelay $0x4  }
0x14e: {  	v23 =	vperm.xlane v20, v19;
	v21 =	vadd.f32 v22, v21;
	_ =	sdelay $0x1  }
0x14f: {  	v21 =	vmul.f32 v21, v23;
	_ =	sdelay $0x1  }
0x150: {  	s12 =	sand.u32 $0x30, s11;
	[tilespmem:s8+$0x30] =	vst v21  }
0x151: {  	v21 =	vld [tilespmem:s12+$0x80];
	_ =	sdelay $0x4  }
0x152: {  	v22 =	vmov s11;
	v21 =	vand.u32 $0x7, v21  }
.Ltmp2:
0x153: {  	v21 =	vperm.xlane v21, v22;
	(pc) =	sbr.rel @p0 .LBB2_7-.Ltmp2, $3  }
0x154: {  	_ = 	snop  }
0x155: {  	v23 =	vcvt.s32.f32 v21;
	_ =	sdelay $0x1  }
0x156: {  	s9 =	sadd.s32 $0x80, s9;
	s10 =	sadd.s32 $0x80, s10;
	s8 =	sadd.s32 $0x80, s8;
	v21 =	vmul.f32 v23, v23;
	v24 =	vadd.f32 $-1.000000000e+00, v23;
	v22 =	vadd.f32 $-2.000000000e+00, v23  }
0x157: {  	v25 =	vadd.f32 $-3.000000000e+00, v23  }
0x158: {  	v26 =	vadd.f32 $-6.000000000e+00, v23;
	v27 =	vadd.f32 $-7.000000000e+00, v23;
	v24 =	vmul.f32 v24, v24  }
0x159: {  	v28 =	vadd.f32 $-4.000000000e+00, v23;
	v59 =	vadd.f32 $-5.000000000e+00, v23;
	v22 =	vmul.f32 v22, v22  }
0x15a: {  	v25 =	vmul.f32 v25, v25;
	v26 =	vmul.f32 v26, v26;
	v24 =	vsub.f32 $1.000000000e+00, v24  }
0x15b: {  	v27 =	vmul.f32 v27, v27;
	v28 =	vmul.f32 v28, v28;
	v22 =	vsub.f32 $1.000000000e+00, v22  }
0x15c: {  	v23 =	vmul.f32 v59, v59;
	v25 =	vsub.f32 $1.000000000e+00, v25;
	v24 =	vmax.f32 v24, $0.0e+00  }
0x15d: {  	v26 =	vsub.f32 $1.000000000e+00, v26;
	v22 =	vmax.f32 v22, $0.0e+00;
	v24 =	vmul.f32 v24, v20  }
0x15e: {  	v27 =	vsub.f32 $1.000000000e+00, v27;
	v25 =	vmax.f32 v25, $0.0e+00;
	v22 =	vmul.f32 v22, v20  }
0x15f: {  	v23 =	vsub.f32 $1.000000000e+00, v23;
	v26 =	vmax.f32 v26, $0.0e+00;
	v25 =	vmul.f32 v25, v20;
	[tilespmem:s16+$0xFFFFFFD0] =	vst v24  }
0x160: {  	v61 =	vsub.f32 $1.000000000e+00, v28;
	v27 =	vmax.f32 v27, $0.0e+00;
	v26 =	vmul.f32 v26, v20;
	[tilespmem:s16+$0xFFFFFFE0] =	vst v22  }
0x161: {  	v21 =	vsub.f32 $1.000000000e+00, v21;
	v23 =	vmax.f32 v23, $0.0e+00;
	v60 =	vmul.f32 v27, v20;
	[tilespmem:s16+$0xFFFFFFF0] =	vst v25  }
0x162: {  	v62 =	vmax.f32 v61, $0.0e+00;
	v23 =	vmul.f32 v23, v20;
	[tilespmem:s16+$0x20] =	vst v26  }
0x163: {  	v21 =	vmax.f32 v21, $0.0e+00;
	v63 =	vmul.f32 v62, v20;
	[tilespmem:s16+$0x30] =	vst v60  }
0x164: {  	v20 =	vmul.f32 v21, v20;
	[tilespmem:s16+$0x10] =	vst v23  }
0x165: {  	[tilespmem:s16+$0x0] =	vst v63  }
0x166: {  	[tilespmem:s16+$0xFFFFFFC0] =	vst v20  }
0x167: {  	[spmem:s4] =	stream.indirect.scatter.add.f32 [tilespmem:s21], [sflag:$0x1], $0x80, s26, s31, $0xb8;
	[tilespmem:$0x1DA80] =	vst v63  }
0x168: {  	s1 =	sadd.s32 $0x1, s1;
	_ =	swait.ge [sflag:s22], $0x1400  }
0x169: {  	p0 =	sne.s32 s1, $0xFA;
	[sflag:s22] =	ssyncset.done $0x0  }
.Ltmp3:
0x16a: {  	[sflag:s22] =	ssyncadd.s32 $0xFFFFEC00;
	(pc) =	sbr.rel @p0 .LBB2_6-.Ltmp3, $4  }
0x16b: {  	[spmem:s5] =	stream.indirect.scatter.add.f32 [tilespmem:s23], [sflag:$0x2], $0x80, s28, s31, $0xb8;
	[tilespmem:$0x1DA80] =	vst v63  }
0x16c: {  	_ =	swait.ge [sflag:s24], $0x1400  }
0x16d: {  	[sflag:s24] =	ssyncset.done $0x0  }
0x16e: {  	[sflag:s24] =	ssyncadd.s32 $0xFFFFEC00  }
0x16f: {  	s0 =	sadd.s32 $0x0, s6  }
0x170: {  	[bflag:$0x0] =	sbarrier.arrive $0xFFFF;
	v20 =	vor.u32 s0, v0  }
0x171: {  	[tilespmem:$0x7A00] =	vst v20  }
0x172: {  	[tilespmem:s21], [sflag:$0x1] =	stream.indirect.gather [spmem:s4], $0x80, s20, s19, $0xb8;
	[tilespmem:$0x1DA80] =	vst v63  }
0x173: {  	_ =	swait.ge [sflag:s22], $0x800  }
0x174: {  	[sflag:s22] =	ssyncset.done $0x0  }
0x175: {  	s0 =	rddreg [dreg:$0xd];
	[sflag:s22] =	ssyncadd.s32 $0xFFFFF800  }
0x176: {  	[hbm4b:s0+s7] =	stream.linear.scatter [tilespmem:s21], [sflag:$0x2], $0x800, $0x38;
	[tilespmem:$0x1DA80] =	vst v63  }
0x177: {  	_ =	swait.ge [sflag:s24], $0x800  }
0x178: {  	s1 =	simm.s32 $0x200;
	s3 =	sadd.s32 $0x100, s6;
	[sflag:s24] =	ssyncset.done $0x0  }
.LBB2_10:
0x179: {  	[sflag:s24] =	ssyncadd.s32 $0xFFFFF800  }
0x17a: {  	v20 =	vor.u32 s3, v0;
	s0 =	sadd.s32 $0x1000, s0;
	s3 =	smov.u32 s1;
	s8 =	sadd.s32 $0x100, s1  }
0x17b: {  	p0 =	sne.s32 s1, $0x2600;
	[tilespmem:$0x7A00] =	vst v20  }
0x17c: {  	[tilespmem:s21], [sflag:$0x1] =	stream.indirect.gather [spmem:s4], $0x80, s20, s19, $0xb8;
	[tilespmem:$0x1DA80] =	vst v63  }
0x17d: {  	_ =	swait.ge [sflag:s22], $0x800  }
.Ltmp4:
0x17e: {  	[sflag:s22] =	ssyncset.done $0x0;
	(pc) =	sbr.rel @p0 .LBB2_10-.Ltmp4, $4  }
0x17f: {  	[sflag:s22] =	ssyncadd.s32 $0xFFFFF800  }
0x180: {  	[hbm4b:s0+s7] =	stream.linear.scatter [tilespmem:s21], [sflag:$0x2], $0x800, $0x38;
	[tilespmem:$0x1DA80] =	vst v63  }
0x181: {  	_ =	swait.ge [sflag:s24], $0x800  }
0x182: {  	s3 =	sadd.s32 s3, s6;
	s1 =	smov.u32 s8;
	[sflag:s24] =	ssyncset.done $0x0  }
0x183: {  	v20 =	vor.u32 s3, v0;
	[sflag:s24] =	ssyncadd.s32 $0xFFFFF800  }
0x184: {  	[tilespmem:$0x7A00] =	vst v20  }
0x185: {  	[tilespmem:s21], [sflag:$0x1] =	stream.indirect.gather [spmem:s4], $0x80, s20, s19, $0xb8;
	[tilespmem:$0x1DA80] =	vst v63  }
0x186: {  	_ =	swait.ge [sflag:s22], $0x800  }
0x187: {  	[sflag:s22] =	ssyncset.done $0x0  }
0x188: {  	s0 =	sadd.s32 $0x1000, s0;
	[sflag:s22] =	ssyncadd.s32 $0xFFFFF800  }
0x189: {  	[hbm4b:s0+s7] =	stream.linear.scatter [tilespmem:s21], [sflag:$0x2], $0x800, $0x38;
	[tilespmem:$0x1DA80] =	vst v63  }
0x18a: {  	_ =	swait.ge [sflag:s24], $0x800  }
0x18b: {  	[sflag:s24] =	ssyncset.done $0x0  }
0x18c: {  	[sflag:s24] =	ssyncadd.s32 $0xFFFFF800  }
0x18d: {  	[tilespmem:$0x7A00] =	vst v7  }
0x18e: {  	[tilespmem:s21], [sflag:$0x1] =	stream.indirect.gather [spmem:s4], $0x80, s20, s19, $0xb8;
	[tilespmem:$0x1DA80] =	vst v63  }
0x18f: {  	_ =	swait.ge [sflag:s22], $0x800  }
0x190: {  	s16 =	simm.s32 $0x0;
	s0 =	sadd.s32 $0x0, s2;
	[sflag:s22] =	ssyncset.done $0x0  }
0x191: {  	p0 =	slt.s32 s0, $0x4E;
	s1 =	rddreg [dreg:$0xc];
	[sflag:s22] =	ssyncadd.s32 $0xFFFFF800  }
0x192: {  	[hbm4b:s1+s16] =	stream.linear.scatter [tilespmem:s21], [sflag:$0x2], $0x800, $0x38;
	[tilespmem:$0x1DA80] =	vst v63  }
0x193: {  	s0 =	simm.s32 @!p0 $0x4E;
	_ =	swait.ge [sflag:s24], $0x800  }
0x194: {  	s17 =	sshll.u32 s0, $0x4;
	[sflag:s24] =	ssyncset.done $0x0  }
0x195: {  	v20 =	vor.u32 s17, v0;
	[sflag:s24] =	ssyncadd.s32 $0xFFFFF800  }
0x196: {  	s0 =	sshll.u32 s0, $0xB;
	[tilespmem:$0x7A00] =	vst v20  }
0x197: {  	[tilespmem:s23], [sflag:$0x3] =	stream.indirect.gather [spmem:s5], $0x80, s20, s19, $0xb8;
	[tilespmem:$0x1DA80] =	vst v63  }
0x198: {  	s0 =	sadd.s32 s15, s0;
	_ =	swait.ge [sflag:s29], $0x800  }
0x199: {  	s25 =	sshrl.u32 s0, $0x3;
	[sflag:s29] =	ssyncset.done $0x0  }
0x19a: {  	s0 =	sadd.s32 $0x10, s2;
	s1 =	sadd.s32 s13, s25;
	[sflag:s29] =	ssyncadd.s32 $0xFFFFF800  }
0x19b: {  	[hbm4b:s1+s7] =	stream.linear.scatter [tilespmem:s23], [sflag:$0x4], $0x800, $0x38;
	[tilespmem:$0x1DA80] =	vst v63  }
0x19c: {  	p0 =	slt.s32 s0, $0x4E;
	_ =	swait.ge [sflag:s30], $0x800  }
0x19d: {  	s0 =	simm.s32 @!p0 $0x4E;
	s1 =	simm.s32 $0x20;
	[sflag:s30] =	ssyncset.done $0x0  }
.LBB2_12:
0x19e: {  	s3 =	sshll.u32 s0, $0x4  }
0x19f: {  	[sflag:s30] =	ssyncadd.s32 $0xFFFFF800;
	s8 =	smov.u32 s1;
	s9 =	sadd.s32 $0x10, s1  }
0x1a0: {  	p0 =	sne.s32 s1, $0x40;
	v20 =	vor.u32 s3, v0  }
0x1a1: {  	s0 =	sshll.u32 s0, $0xB;
	[tilespmem:$0x7A00] =	vst v20  }
0x1a2: {  	[tilespmem:s23], [sflag:$0x3] =	stream.indirect.gather [spmem:s5], $0x80, s20, s19, $0xb8;
	[tilespmem:$0x1DA80] =	vst v63  }
0x1a3: {  	s0 =	sadd.s32 s15, s0;
	_ =	swait.ge [sflag:s29], $0x800  }
.Ltmp5:
0x1a4: {  	s1 =	sshrl.u32 s0, $0x3;
	[sflag:s29] =	ssyncset.done $0x0;
	(pc) =	sbr.rel @p0 .LBB2_12-.Ltmp5, $4  }
0x1a5: {  	s0 =	sadd.s32 s8, s2;
	s1 =	sadd.s32 s13, s1;
	[sflag:s29] =	ssyncadd.s32 $0xFFFFF800  }
0x1a6: {  	[hbm4b:s1+s7] =	stream.linear.scatter [tilespmem:s23], [sflag:$0x4], $0x800, $0x38;
	[tilespmem:$0x1DA80] =	vst v63  }
0x1a7: {  	p1 =	slt.s32 s0, $0x4E;
	_ =	swait.ge [sflag:s30], $0x800  }
0x1a8: {  	s0 =	simm.s32 @!p1 $0x4E;
	s1 =	smov.u32 s9;
	[sflag:s30] =	ssyncset.done $0x0  }
0x1a9: {  	s1 =	sshll.u32 s0, $0x4  }
0x1aa: {  	[sflag:s30] =	ssyncadd.s32 $0xFFFFF800;
	v20 =	vor.u32 s1, v0  }
0x1ab: {  	s16 =	sshll.u32 s0, $0xB;
	[tilespmem:$0x7A00] =	vst v20  }
0x1ac: {  	[tilespmem:s23], [sflag:$0x3] =	stream.indirect.gather [spmem:s5], $0x80, s20, s19, $0xb8;
	[tilespmem:$0x1DA80] =	vst v63  }
0x1ad: {  	s0 =	sadd.s32 s15, s16;
	_ =	swait.ge [sflag:s29], $0x800  }
0x1ae: {  	s0 =	sshrl.u32 s0, $0x3;
	[sflag:s29] =	ssyncset.done $0x0  }
0x1af: {  	s0 =	sadd.s32 s13, s0;
	[sflag:s29] =	ssyncadd.s32 $0xFFFFF800  }
0x1b0: {  	[hbm4b:s0+s7] =	stream.linear.scatter [tilespmem:s23], [sflag:$0x4], $0x800, $0x38;
	[tilespmem:$0x1DA80] =	vst v63  }
0x1b1: {  	_ =	swait.ge [sflag:s30], $0x800  }
0x1b2: {  	s17 =	rddreg [dreg:$0xe]  }
0x1b3: {  	s25 =	rddreg [dreg:$0xb];
	s1 =	sadd.s32 $0x1, s17  }
0x1b4: {  	p0 =	sne.s32 s1, s25  }
.Ltmp6:
0x1b5: {  	_ = 	snop;
	(pc) =	sbr.rel @p0 .LBB2_1-.Ltmp6, $3  }
0x1b6: {  	_ =	sdelay $0x1  }
0x1b7: {  	[sflag:s30] =	ssyncset.done $0x0  }
0x1b8: {  	[sflag:s30] =	ssyncadd.s32 $0xFFFFF800  }
0x1b9: {  	_ =	sfence.sel $0x180000  }
0x1ba: {  	[bflag:$0x0] =	sbarrier.arrive $0xFFFF  }
0x1bb: {  	_ =	strace $0x90000047  }
0x1bc: {  	[bflag:$0x2] =	sbarrier.arrive $0xFFFF  }
0x1bd: {  	p0 =	sne.s32 s2, $0x0;
	s0 =	rddreg [dreg:$0x5]  }
0x1be: {  	s0 =	sadd.s32 @!p0 $0x100000, s0  }
0x1bf: {  	[sflag:s0] =	ssyncadd.tile.s32 @!p0 $0x1;
	_ =	shalt  }
.Lfunc_end2:
_tile_overlayer_lowered:
.L_overlay_start_2:
0x1c0: {  	(tag) =	ssettag $0x2  }
0x1c1: {  	s0 =	rddreg [dreg:$0x0];
	s2 =	stileid.u32  }
0x1c2: {  	s1 =	rddreg [dreg:$0x1];
	p0 =	sne.s32 s2, $0x0  }
0x1c3: {  	s3 =	rddreg [dreg:$0x2];
	[bflag:$0x3] =	sbarrier.arrive $0xFFFF;
	s2 =	simm.s32 @!p0 $0x1C05  }
0x1c4: {  	[timem:s3], [sflag:s2] =	dma.local @!p0 [hbm:s0], s1  }
0x1c5: {  	s0 =	simm.s32 @!p0 $0x5  }
0x1c6: {  	_ =	swait.ge @!p0 [sflag:s0], s1  }
0x1c7: {  	s1 =	ssub.s32 @!p0 $0x0, s1;
	[sflag:s0] =	ssyncset.done @!p0 $0x0  }
0x1c8: {  	[sflag:s0] =	ssyncadd.s32 @!p0 s1  }
0x1c9: {  	[bflag:$0x3] =	sbarrier.arrive $0xFFFF  }
0x1ca: {  	_ =	shalt  }

</sc_bundles>
